<compile_context>
chip_gen: v7x
topology: tpu7x:2x2x1
jax: 0.10.2.dev20260603
libtpu: 0.0.44.dev20260713+nightly
codegen_flags: <defaults>
</compile_context>

<pallas_src>
import jax
import jax.numpy as jnp
from jax import lax
from jax.experimental import pallas as pl
from jax.experimental.pallas import tpu as pltpu
from jax.experimental.pallas import tpu_sc as plsc

_MAX_DET = 300
_OUTW = 304
_SCORE_THRESH = 0.3
_L = 16
_GS = 8
_SHARD = 640
_NSL = _SHARD // _L
_BIG = 1 << 30


def _sc_body(scal_hbm, x1_hbm, y1_hbm, x2_hbm, y2_hbm, sc_hbm, lb_hbm,
             out_hbm,
             scal_v, ox1_v, oy1_v, ox2_v, oy2_v,
             cx1_v, cy1_v, cx2_v, cy2_v, aj_v, alive_v, sc_v, lb_v,
             rec_v, rb_v, o_v, pub_sh):
    c = lax.axis_index("c")
    s = lax.axis_index("s")
    grp = s // _GS
    g = s % _GS
    img = c * 2 + grp
    base = g * _SHARD
    lane = lax.iota(jnp.int32, _L)
    neg_inf = jnp.float32(-jnp.inf)
    pos_inf = jnp.float32(jnp.inf)
    ninf_vec = jnp.full((_L,), neg_inf, jnp.float32)
    pinf_vec = jnp.full((_L,), pos_inf, jnp.float32)
    zero_i = jnp.zeros((_L,), jnp.int32)

    pltpu.sync_copy(scal_hbm, scal_v)
    sv = scal_v[...]
    imgf = sv[0]
    thr = sv[1]
    cw0 = sv[2]
    cw1 = sv[3]
    pltpu.sync_copy(x1_hbm.at[img, pl.ds(base, _SHARD)], cx1_v)
    pltpu.sync_copy(y1_hbm.at[img, pl.ds(base, _SHARD)], cy1_v)
    pltpu.sync_copy(x2_hbm.at[img, pl.ds(base, _SHARD)], cx2_v)
    pltpu.sync_copy(y2_hbm.at[img, pl.ds(base, _SHARD)], cy2_v)
    pltpu.sync_copy(sc_hbm.at[img, pl.ds(base, _SHARD)], sc_v)
    pltpu.sync_copy(lb_hbm.at[img, pl.ds(base, _SHARD)], lb_v)

    def prep(si, c2):
        mv1, mi1, mv2, mi2 = c2
        d = pl.ds(si * _L, _L)
        lb = lb_v[d]
        lbf = lb.astype(jnp.float32)
        off = lbf * (imgf + 1.0)
        cx1 = jnp.minimum(jnp.maximum(cx1_v[d], 0.0), imgf)
        cy1 = jnp.minimum(jnp.maximum(cy1_v[d], 0.0), imgf)
        cx2 = jnp.minimum(jnp.maximum(cx2_v[d], 0.0), imgf)
        cy2 = jnp.minimum(jnp.maximum(cy2_v[d], 0.0), imgf)
        cx1_v[d] = cx1
        cy1_v[d] = cy1
        cx2_v[d] = cx2
        cy2_v[d] = cy2
        x1 = cx1 + off
        y1 = cy1 + off
        x2 = cx2 + off
        y2 = cy2 + off
        ox1_v[d] = x1
        oy1_v[d] = y1
        ox2_v[d] = x2
        oy2_v[d] = y2
        aj_v[d] = (x2 - x1) * (y2 - y1)
        sc = sc_v[d]
        w = sc * jnp.where(lb == 0, cw0, cw1)
        a = jnp.where(sc > _SCORE_THRESH, w, neg_inf)
        alive_v[d] = a
        ii = lane + si * _L
        b1 = a > mv1
        dv = jnp.where(b1, mv1, a)
        di = jnp.where(b1, mi1, ii)
        b2 = dv > mv2
        return (jnp.where(b1, a, mv1), jnp.where(b1, ii, mi1),
                jnp.where(b2, dv, mv2), jnp.where(b2, di, mi2))

    mv10, mi10, mv20, mi20 = lax.fori_loop(
        0, _NSL, prep, (ninf_vec, zero_i, ninf_vec, zero_i))

    @pl.when(g == 0)
    def _():
        z = jnp.where(lane == 7, jnp.float32(-1.0), jnp.float32(0.0))

        def zinit(si, _):
            o_v[si] = z
            return 0

        lax.fori_loop(0, _OUTW, zinit, 0)

    rec_v[0] = ninf_vec
    rec_v[1] = ninf_vec
    pltpu.sync_copy(rec_v, pub_sh.at[1, grp, pl.ds(2 * g, 2)])
    pltpu.sync_copy(rec_v, pub_sh.at[2, grp, pl.ds(2 * g, 2)])
    plsc.subcore_barrier()

    def build_rec(m, win):
        winv = jnp.full((_L,), win, jnp.int32)
        rec = jnp.full((_L,), m, jnp.float32)
        rec = jnp.where(lane == 1, (base + win).astype(jnp.float32), rec)
        rec = jnp.where(lane == 2, plsc.load_gather(ox1_v, [winv]), rec)
        rec = jnp.where(lane == 3, plsc.load_gather(oy1_v, [winv]), rec)
        rec = jnp.where(lane == 4, plsc.load_gather(ox2_v, [winv]), rec)
        rec = jnp.where(lane == 5, plsc.load_gather(oy2_v, [winv]), rec)
        rec = jnp.where(lane == 6, plsc.load_gather(sc_v, [winv]), rec)
        rec = jnp.where(lane == 7,
                        plsc.load_gather(lb_v, [winv]).astype(jnp.float32), rec)
        rec = jnp.where(lane == 8, plsc.load_gather(cx1_v, [winv]), rec)
        rec = jnp.where(lane == 9, plsc.load_gather(cy1_v, [winv]), rec)
        rec = jnp.where(lane == 10, plsc.load_gather(cx2_v, [winv]), rec)
        rec = jnp.where(lane == 11, plsc.load_gather(cy2_v, [winv]), rec)
        return rec

    def step_cond(carry):
        t, go, count, done, mv1, mi1, mv2, mi2 = carry
        return go & (t < _MAX_DET + 2)

    def step(carry):
        t, go, count, done, mv1, mi1, mv2, mi2 = carry
        m1 = jnp.max(mv1)
        i1 = jnp.min(jnp.where(mv1 == m1, mi1, _BIG))
        mv1x = jnp.where((mv1 == m1) & (mi1 == i1), neg_inf, mv1)
        bb = (mv2 > mv1x) | ((mv2 == mv1x) & (mi2 < mi1))
        vc = jnp.where(bb, mv2, mv1x)
        ic = jnp.where(bb, mi2, mi1)
        m2 = jnp.max(vc)
        i2 = jnp.min(jnp.where(vc == m2, ic, _BIG))
        donef = jnp.where(done, jnp.float32(1.0), jnp.float32(0.0))
        rec_v[0] = jnp.where(lane == 12, donef, build_rec(m1, i1))
        rec_v[1] = jnp.where(lane == 12, donef, build_rec(m2, i2))

        p = t % 2 + 1
        pltpu.sync_copy(rec_v, pub_sh.at[p, grp, pl.ds(2 * g, 2)])
        plsc.subcore_barrier()
        pltpu.sync_copy(pub_sh.at[p], rb_v)

        grpv = jnp.full((_L,), grp, jnp.int32)
        ogrpv = jnp.full((_L,), 1 - grp, jnp.int32)
        val16 = plsc.load_gather(rb_v, [grpv, lane, zero_i])
        gid16 = plsc.load_gather(rb_v, [grpv, lane, zero_i + 1])
        other_done = plsc.load_gather(rb_v, [ogrpv, zero_i, zero_i + 12])[0] > 0.5
        go2 = jnp.logical_not(done & other_done)
        mW = jnp.max(val16)
        active = mW > neg_inf
        gW = jnp.min(jnp.where(val16 == mW, gid16, pos_inf))
        kW = jnp.min(jnp.where((val16 == mW) & (gid16 == gW), lane, _L))
        kWv = jnp.full((_L,), kW, jnp.int32)
        val16x = jnp.where(lane == kW, neg_inf, val16)
        mS = jnp.max(val16x)
        gS = jnp.min(jnp.where(val16x == mS, gid16, pos_inf))
        kS = jnp.min(jnp.where((val16x == mS) & (gid16 == gS), lane, _L))
        kSv = jnp.full((_L,), kS, jnp.int32)

        bx1 = jnp.where(active, plsc.load_gather(rb_v, [grpv, kWv, zero_i + 2]), pinf_vec)
        by1 = jnp.where(active, plsc.load_gather(rb_v, [grpv, kWv, zero_i + 3]), pinf_vec)
        bx2 = jnp.where(active, plsc.load_gather(rb_v, [grpv, kWv, zero_i + 4]), ninf_vec)
        by2 = jnp.where(active, plsc.load_gather(rb_v, [grpv, kWv, zero_i + 5]), ninf_vec)
        a_iv = (bx2 - bx1) * (by2 - by1)
        wg1 = jnp.where(active, gW.astype(jnp.int32), -1)

        sx1 = plsc.load_gather(rb_v, [grpv, kSv, zero_i + 2])
        sy1 = plsc.load_gather(rb_v, [grpv, kSv, zero_i + 3])
        sx2 = plsc.load_gather(rb_v, [grpv, kSv, zero_i + 4])
        sy2 = plsc.load_gather(rb_v, [grpv, kSv, zero_i + 5])
        a_sv = (sx2 - sx1) * (sy2 - sy1)
        qx1 = jnp.maximum(bx1, sx1)
        qy1 = jnp.maximum(by1, sy1)
        qx2 = jnp.minimum(bx2, sx2)
        qy2 = jnp.minimum(by2, sy2)
        qint = (jnp.maximum(qx2 - qx1, 0.0) * jnp.maximum(qy2 - qy1, 0.0))
        qiou = qint / (a_iv + a_sv - qint + 1e-9)
        emit2 = active & (mS > neg_inf) & jnp.logical_not(qiou[0] > thr)
        cx1s = jnp.where(emit2, sx1, pinf_vec)
        cy1s = jnp.where(emit2, sy1, pinf_vec)
        cx2s = jnp.where(emit2, sx2, ninf_vec)
        cy2s = jnp.where(emit2, sy2, ninf_vec)
        a_sv2 = (cx2s - cx1s) * (cy2s - cy1s)
        wg2 = jnp.where(emit2, gS.astype(jnp.int32), -1)

        w1l = wg1 - base
        mine1 = (w1l >= 0) & (w1l < _SHARD)
        plsc.store_scatter(
            alive_v, [jnp.full((_L,), jnp.clip(w1l, 0, _SHARD - 1), jnp.int32)],
            ninf_vec, mask=(lane == 0) & mine1)
        w2l = wg2 - base
        mine2 = (w2l >= 0) & (w2l < _SHARD)
        plsc.store_scatter(
            alive_v, [jnp.full((_L,), jnp.clip(w2l, 0, _SHARD - 1), jnp.int32)],
            ninf_vec, mask=(lane == 0) & mine2)

        def fused(si, c2):
            nv1, ni1, nv2, ni2 = c2
            d = pl.ds(si * _L, _L)
            a = alive_v[d]
            x1 = ox1_v[d]
            y1 = oy1_v[d]
            x2 = ox2_v[d]
            y2 = oy2_v[d]
            aj = aj_v[d]
            xx1 = jnp.maximum(bx1, x1)
            yy1 = jnp.maximum(by1, y1)
            xx2 = jnp.minimum(bx2, x2)
            yy2 = jnp.minimum(by2, y2)
            inter = (jnp.maximum(xx2 - xx1, 0.0)
                     * jnp.maximum(yy2 - yy1, 0.0))
            iou = inter / (a_iv + aj - inter + 1e-9)
            ux1 = jnp.maximum(cx1s, x1)
            uy1 = jnp.maximum(cy1s, y1)
            ux2 = jnp.minimum(cx2s, x2)
            uy2 = jnp.minimum(cy2s, y2)
            uint = (jnp.maximum(ux2 - ux1, 0.0)
                    * jnp.maximum(uy2 - uy1, 0.0))
            uiou = uint / (a_sv2 + aj - uint + 1e-9)
            ii = lane + si * _L
            kill = (iou > thr) | (uiou > thr)
            a = jnp.where(kill, neg_inf, a)
            alive_v[d] = a
            b1 = a > nv1
            dv = jnp.where(b1, nv1, a)
            di = jnp.where(b1, ni1, ii)
            b2 = dv > nv2
            return (jnp.where(b1, a, nv1), jnp.where(b1, ii, ni1),
                    jnp.where(b2, dv, nv2), jnp.where(b2, di, ni2))

        nmv1, nmi1, nmv2, nmi2 = plsc.parallel_loop(
            0, _NSL, unroll=8,
            carry=(ninf_vec, zero_i, ninf_vec, zero_i))(fused)

        @pl.when(active & (g == 0) & (count < _MAX_DET))
        def _():
            o_v[count] = plsc.load_gather(rb_v, [grpv, kWv, lane])

        count1 = count + jnp.where(active, 1, 0)

        @pl.when(emit2 & (g == 0) & (count1 < _MAX_DET))
        def _():
            o_v[count1] = plsc.load_gather(rb_v, [grpv, kSv, lane])

        count2 = count1 + jnp.where(emit2, 1, 0)
        done2 = (count2 >= _MAX_DET) | jnp.logical_not(active)
        return (t + 1, go2, count2, done2, nmv1, nmi1, nmv2, nmi2)

    lax.while_loop(step_cond, step,
                   (jnp.int32(0), jnp.bool_(True), jnp.int32(0),
                    jnp.bool_(False), mv10, mi10, mv20, mi20))

    @pl.when(g == 0)
    def _():
        pltpu.sync_copy(o_v, out_hbm.at[img])


def kernel(boxes, scores, labels, img_size, nms_thresh, class_weights):
    B, N, _ = boxes.shape
    Np = _GS * _SHARD
    pad = Np - N

    thr = jax.nn.sigmoid(jnp.asarray(nms_thresh, jnp.float32))
    imgf = jnp.asarray(img_size, jnp.float32)
    cw = jnp.asarray(class_weights, jnp.float32)
    scal = jnp.zeros((16,), jnp.float32)
    scal = scal.at[0].set(imgf).at[1].set(thr)
    scal = scal.at[2].set(cw[0]).at[3].set(cw[1])

    x1 = jnp.pad(boxes[:, :, 0], ((0, 0), (0, pad)))
    y1 = jnp.pad(boxes[:, :, 1], ((0, 0), (0, pad)))
    x2 = jnp.pad(boxes[:, :, 2], ((0, 0), (0, pad)))
    y2 = jnp.pad(boxes[:, :, 3], ((0, 0), (0, pad)))
    scp = jnp.pad(scores, ((0, 0), (0, pad)), constant_values=-1.0)
    lbp = jnp.pad(labels.astype(jnp.int32), ((0, 0), (0, pad)))

    mesh = plsc.VectorSubcoreMesh(core_axis_name="c", subcore_axis_name="s",
                                  num_cores=2, num_subcores=16)
    run = pl.kernel(
        _sc_body,
        out_type=jax.ShapeDtypeStruct((B, _OUTW, _L), jnp.float32),
        mesh=mesh,
        compiler_params=pltpu.CompilerParams(needs_layout_passes=False),
        scratch_types=[
            pltpu.VMEM((_L,), jnp.float32),
            pltpu.VMEM((_SHARD,), jnp.float32),
            pltpu.VMEM((_SHARD,), jnp.float32),
            pltpu.VMEM((_SHARD,), jnp.float32),
            pltpu.VMEM((_SHARD,), jnp.float32),
            pltpu.VMEM((_SHARD,), jnp.float32),
            pltpu.VMEM((_SHARD,), jnp.float32),
            pltpu.VMEM((_SHARD,), jnp.float32),
            pltpu.VMEM((_SHARD,), jnp.float32),
            pltpu.VMEM((_SHARD,), jnp.float32),
            pltpu.VMEM((_SHARD,), jnp.float32),
            pltpu.VMEM((_SHARD,), jnp.float32),
            pltpu.VMEM((_SHARD,), jnp.int32),
            pltpu.VMEM((2, _L), jnp.float32),
            pltpu.VMEM((2, 2 * _GS, _L), jnp.float32),
            pltpu.VMEM((_OUTW, _L), jnp.float32),
            pltpu.VMEM_SHARED((3, 2, 2 * _GS, _L), jnp.float32),
        ],
    )
    out = run(scal, x1, y1, x2, y2, scp, lbp)

    det = out[:, :_MAX_DET, :]
    out_boxes = det[:, :, 8:12]
    out_scores = det[:, :, 6]
    out_labels = det[:, :, 7].astype(jnp.int32)
    return out_boxes, out_scores, out_labels

# --- scband reference (transcript-rebuilt; emitter-appended) ---
"""Pipeline reference for scband-dynamic-nms-36507222016519 (READ-ONLY COPY).

The authoritative reference and input builder live on the scoring server;
editing this copy changes nothing except your own understanding.
"""

import jax, jax.numpy as jnp
import numpy as np
from jax import lax

NUM_CLASSES = 2
SCORE_THRESH = 0.3
MAX_DET = 300


def setup_inputs(seed: int = 0) -> dict:
    key = jax.random.key(seed)
    k1, k2, k3, k4 = jax.random.split(key, 4)
    B, N = 4, 5000
    mins = jax.random.uniform(k1, (B, N, 2), dtype=jnp.float32) * 480.0
    sizes = jax.random.uniform(k2, (B, N, 2), dtype=jnp.float32) * 140.0
    boxes = jnp.concatenate([mins, mins + sizes], axis=-1)
    scores = jax.random.uniform(k3, (B, N), dtype=jnp.float32)
    labels = jax.random.randint(k4, (B, N), 0, NUM_CLASSES)
    return {
        "boxes": boxes,
        "scores": scores,
        "labels": labels,
        "img_size": 512,
        "nms_thresh": jnp.asarray(-0.6, jnp.float32),
        "class_weights": jnp.ones((NUM_CLASSES,), jnp.float32),
    }


def _nms_single(boxes, scores, labels, img_size, nms_thresh, class_weights):
    N = boxes.shape[0]
    valid = scores > SCORE_THRESH
    weighted = scores * class_weights[labels]
    imgf = jnp.asarray(img_size, jnp.float32)
    cb = jnp.clip(boxes, 0.0, imgf)
    # batched_nms trick: offset boxes per class so cross-class boxes never overlap
    offset = labels.astype(cb.dtype) * (imgf + 1.0)
    ob = cb + offset[:, None]
    s = jnp.where(valid, weighted, -jnp.inf)
    order = jnp.argsort(-s)
    ob_s = ob[order]
    keep0 = valid[order]
    thr = jax.nn.sigmoid(nms_thresh)
    idxs = jnp.arange(N)

    def body(i, keep):
        box_i = ob_s[i]
        xx1 = jnp.maximum(box_i[0], ob_s[:, 0])
        yy1 = jnp.maximum(box_i[1], ob_s[:, 1])
        xx2 = jnp.minimum(box_i[2], ob_s[:, 2])
        yy2 = jnp.minimum(box_i[3], ob_s[:, 3])
        inter = jnp.clip(xx2 - xx1, 0.0) * jnp.clip(yy2 - yy1, 0.0)
        a_i = (box_i[2] - box_i[0]) * (box_i[3] - box_i[1])
        a_j = (ob_s[:, 2] - ob_s[:, 0]) * (ob_s[:, 3] - ob_s[:, 1])
        iou = inter / (a_i + a_j - inter + 1e-9)
        suppress = (iou > thr) & (idxs > i)
        return jnp.where(keep[i], keep & (~suppress), keep)

    keep = lax.fori_loop(0, N, body, keep0)
    # first MAX_DET kept boxes in score order
    prio = jnp.where(keep, jnp.float32(N) - idxs.astype(jnp.float32), -jnp.inf)
    vals, pos = lax.top_k(prio, MAX_DET)
    sel_valid = vals > -jnp.inf
    final = order[pos]
    out_boxes = jnp.where(sel_valid[:, None], cb[final], 0.0)
    out_scores = jnp.where(sel_valid, scores[final], 0.0)
    out_labels = jnp.where(sel_valid, labels[final], -1)
    return out_boxes, out_scores, out_labels


def reference(boxes, scores, labels, img_size, nms_thresh, class_weights):
    @jax.jit
    def run(boxes, scores, labels, nms_thresh, class_weights):
        fn = lambda b, s, l: _nms_single(b, s, l, img_size, nms_thresh, class_weights)
        return jax.vmap(fn)(boxes, scores, labels)

    return run(boxes, scores, labels, nms_thresh, class_weights)

if __name__ == "__main__":
    import jax
    _d = setup_inputs()
    print(jax.jit(kernel)(*tuple(_d.values())))

</pallas_src>

<mosaic_0001>
#map = affine_map<(d0, d1) -> (0)>
#map1 = affine_map<(d0, d1) -> (0, 0)>
#map2 = affine_map<(d0, d1) -> (0, 0, 0)>
module attributes {stable_mosaic.version = 14 : i64} {
  func.func @_sc_body(%arg0: i32, %arg1: i32, %arg2: memref<16xf32, #tpu.memory_space<hbm>>, %arg3: memref<4x5120xf32, #tpu.memory_space<hbm>>, %arg4: memref<4x5120xf32, #tpu.memory_space<hbm>>, %arg5: memref<4x5120xf32, #tpu.memory_space<hbm>>, %arg6: memref<4x5120xf32, #tpu.memory_space<hbm>>, %arg7: memref<4x5120xf32, #tpu.memory_space<hbm>>, %arg8: memref<4x5120xi32, #tpu.memory_space<hbm>>, %arg9: memref<4x304x16xf32, #tpu.memory_space<hbm>>, %arg10: memref<16xf32, #tpu.memory_space<vmem>>, %arg11: memref<640xf32, #tpu.memory_space<vmem>>, %arg12: memref<640xf32, #tpu.memory_space<vmem>>, %arg13: memref<640xf32, #tpu.memory_space<vmem>>, %arg14: memref<640xf32, #tpu.memory_space<vmem>>, %arg15: memref<640xf32, #tpu.memory_space<vmem>>, %arg16: memref<640xf32, #tpu.memory_space<vmem>>, %arg17: memref<640xf32, #tpu.memory_space<vmem>>, %arg18: memref<640xf32, #tpu.memory_space<vmem>>, %arg19: memref<640xf32, #tpu.memory_space<vmem>>, %arg20: memref<640xf32, #tpu.memory_space<vmem>>, %arg21: memref<640xf32, #tpu.memory_space<vmem>>, %arg22: memref<640xi32, #tpu.memory_space<vmem>>, %arg23: memref<2x16xf32, #tpu.memory_space<vmem>>, %arg24: memref<2x16x16xf32, #tpu.memory_space<vmem>>, %arg25: memref<304x16xf32, #tpu.memory_space<vmem>>, %arg26: memref<3x2x16x16xf32, #tpu.memory_space<vmem_shared>>) attributes {dimension_semantics = [#tpu.dimension_semantics<core_parallel>, #tpu.dimension_semantics<subcore_parallel>], iteration_bounds = array<i64: 2, 16>, scalar_prefetch = 0 : i64, scratch_operands = 17 : i64, tpu.core_type = #tpu.core_type<sc_vector_subcore>, window_params = [{transform_indices = #map}, {transform_indices = #map1}, {transform_indices = #map1}, {transform_indices = #map1}, {transform_indices = #map1}, {transform_indices = #map1}, {transform_indices = #map1}, {transform_indices = #map2}]} {
    %jit3A = arith.constant 8 : i32
    %div3A = arith.divsi %arg1, %jit3A : i32
    %sign3A = arith.constant 0 : i32
    %sign3A_0 = arith.cmpi sgt, %arg1, %sign3A : i32
    %sign3A_1 = arith.extui %sign3A_0 : i1 to i32
    %sign3A_2 = arith.constant 0 : i32
    %sign3A_3 = arith.cmpi slt, %arg1, %sign3A_2 : i32
    %sign3A_4 = arith.extui %sign3A_3 : i1 to i32
    %sign3A_5 = arith.subi %sign3A_1, %sign3A_4 : i32
    %sign3A_6 = arith.constant 0 : i32
    %sign3A_7 = arith.cmpi sgt, %jit3A, %sign3A_6 : i32
    %sign3A_8 = arith.extui %sign3A_7 : i1 to i32
    %sign3A_9 = arith.constant 0 : i32
    %sign3A_10 = arith.cmpi slt, %jit3A, %sign3A_9 : i32
    %sign3A_11 = arith.extui %sign3A_10 : i1 to i32
    %sign3A_12 = arith.subi %sign3A_8, %sign3A_11 : i32
    %ne3A = arith.cmpi ne, %sign3A_5, %sign3A_12 : i32
    %rem3A = arith.remsi %arg1, %jit3A : i32
    %ne3A_13 = arith.constant 0 : i32
    %ne3A_14 = arith.cmpi ne, %rem3A, %ne3A_13 : i32
    %and3A = arith.andi %ne3A, %ne3A_14 : i1
    %sub3A = arith.constant 1 : i32
    %sub3A_15 = arith.subi %div3A, %sub3A : i32
    %select_n3A = arith.select %and3A, %sub3A_15, %div3A : i32
    %jit3A_16 = arith.constant 8 : i32
    %eq3A = arith.constant 0 : i32
    %eq3A_17 = arith.cmpi eq, %jit3A_16, %eq3A : i32
    %jit3A_18 = arith.constant 1 : i32
    %select_n3A_19 = arith.select %eq3A_17, %jit3A_18, %jit3A_16 : i32
    %rem3A_20 = arith.remsi %arg1, %select_n3A_19 : i32
    %ne3A_21 = arith.constant 0 : i32
    %ne3A_22 = arith.cmpi ne, %rem3A_20, %ne3A_21 : i32
    %lt3A = arith.constant 0 : i32
    %lt3A_23 = arith.cmpi slt, %rem3A_20, %lt3A : i32
    %lt3A_24 = arith.constant 0 : i32
    %lt3A_25 = arith.cmpi slt, %select_n3A_19, %lt3A_24 : i32
    %ne3A_26 = arith.xori %lt3A_23, %lt3A_25 : i1
    %and3A_27 = arith.andi %ne3A_26, %ne3A_22 : i1
    %add3A = arith.addi %rem3A_20, %select_n3A_19 : i32
    %select_n3A_28 = arith.select %and3A_27, %add3A, %rem3A_20 : i32
    %mul3A = arith.constant 2 : i32
    %mul3A_29 = arith.muli %arg0, %mul3A : i32
    %add3A_30 = arith.addi %mul3A_29, %select_n3A : i32
    %mul3A_31 = arith.constant 640 : i32
    %mul3A_32 = arith.muli %select_n3A_28, %mul3A_31 : i32
    %iota3A = tpu.iota {dimensions = array<i32: 0>} : vector<16xi32>
    %broadcast_in_dim3A = arith.constant 0xFF800000 : f32
    %broadcast_in_dim3A_33 = vector.broadcast %broadcast_in_dim3A : f32 to vector<16xf32>
    %broadcast_in_dim3A_34 = arith.constant 0x7F800000 : f32
    %broadcast_in_dim3A_35 = vector.broadcast %broadcast_in_dim3A_34 : f32 to vector<16xf32>
    %broadcast_in_dim3A_36 = arith.constant 0 : i32
    %broadcast_in_dim3A_37 = vector.broadcast %broadcast_in_dim3A_36 : i32 to vector<16xi32>
    "tpu.region"() ({
      %run_scoped3A_77 = tpu.sem_alloc : memref<!tpu.dma_semaphore, #tpu.memory_space<semaphore_mem>>
      tpu.enqueue_dma source(%arg2 : memref<16xf32, #tpu.memory_space<hbm>>) target(%arg10 : memref<16xf32, #tpu.memory_space<vmem>>) target_semaphore(%run_scoped3A_77 : memref<!tpu.dma_semaphore, #tpu.memory_space<semaphore_mem>>)
      tpu.wait_dma2 semaphore(%run_scoped3A_77 : memref<!tpu.dma_semaphore, #tpu.memory_space<semaphore_mem>>) src(%arg2 : memref<16xf32, #tpu.memory_space<hbm>>) dst(%arg10 : memref<16xf32, #tpu.memory_space<vmem>>)
      tpu.yield
    }) : () -> ()
    %get3A = arith.constant 0 : index
    %get3A_38 = tpu.vector_load %arg10[%get3A] {strides = array<i32>} : memref<16xf32, #tpu.memory_space<vmem>>, vector<16xf32>,
    %slice3A = vector.extract_strided_slice %get3A_38 {offsets = [0], sizes = [1], strides = [1]} : vector<16xf32> to vector<1xf32>
    %squeeze3A = vector.extract %slice3A[0] : f32 from vector<1xf32>
    %slice3A_39 = vector.extract_strided_slice %get3A_38 {offsets = [1], sizes = [1], strides = [1]} : vector<16xf32> to vector<1xf32>
    %squeeze3A_40 = vector.extract %slice3A_39[0] : f32 from vector<1xf32>
    %slice3A_41 = vector.extract_strided_slice %get3A_38 {offsets = [2], sizes = [1], strides = [1]} : vector<16xf32> to vector<1xf32>
    %squeeze3A_42 = vector.extract %slice3A_41[0] : f32 from vector<1xf32>
    %slice3A_43 = vector.extract_strided_slice %get3A_38 {offsets = [3], sizes = [1], strides = [1]} : vector<16xf32> to vector<1xf32>
    %squeeze3A_44 = vector.extract %slice3A_43[0] : f32 from vector<1xf32>
    "tpu.region"() ({
      %run_scoped3A_77 = tpu.sem_alloc : memref<!tpu.dma_semaphore, #tpu.memory_space<semaphore_mem>>
      %dma_start3A = tpu.memref_slice %arg3[%add3A_30, %mul3A_32] : memref<4x5120xf32, #tpu.memory_space<hbm>> -> memref<1x640xf32, #tpu.memory_space<hbm>>
      %dma_start3A_78 = tpu.memref_squeeze %dma_start3A : memref<1x640xf32, #tpu.memory_space<hbm>> -> memref<640xf32, #tpu.memory_space<hbm>>
      %dma_start3A_79 = tpu.memref_slice %arg3[%add3A_30, %mul3A_32] : memref<4x5120xf32, #tpu.memory_space<hbm>> -> memref<1x640xf32, #tpu.memory_space<hbm>>
      %dma_start3A_80 = tpu.memref_squeeze %dma_start3A_79 : memref<1x640xf32, #tpu.memory_space<hbm>> -> memref<640xf32, #tpu.memory_space<hbm>>
      tpu.enqueue_dma source(%dma_start3A_80 : memref<640xf32, #tpu.memory_space<hbm>>) target(%arg15 : memref<640xf32, #tpu.memory_space<vmem>>) target_semaphore(%run_scoped3A_77 : memref<!tpu.dma_semaphore, #tpu.memory_space<semaphore_mem>>)
      %dma_wait3A = tpu.memref_slice %arg3[%add3A_30, %mul3A_32] : memref<4x5120xf32, #tpu.memory_space<hbm>> -> memref<1x640xf32, #tpu.memory_space<hbm>>
      %dma_wait3A_81 = tpu.memref_squeeze %dma_wait3A : memref<1x640xf32, #tpu.memory_space<hbm>> -> memref<640xf32, #tpu.memory_space<hbm>>
      %dma_wait3A_82 = tpu.memref_slice %arg3[%add3A_30, %mul3A_32] : memref<4x5120xf32, #tpu.memory_space<hbm>> -> memref<1x640xf32, #tpu.memory_space<hbm>>
      %dma_wait3A_83 = tpu.memref_squeeze %dma_wait3A_82 : memref<1x640xf32, #tpu.memory_space<hbm>> -> memref<640xf32, #tpu.memory_space<hbm>>
      tpu.wait_dma2 semaphore(%run_scoped3A_77 : memref<!tpu.dma_semaphore, #tpu.memory_space<semaphore_mem>>) src(%dma_wait3A_83 : memref<640xf32, #tpu.memory_space<hbm>>) dst(%arg15 : memref<640xf32, #tpu.memory_space<vmem>>)
      tpu.yield
    }) : () -> ()
    "tpu.region"() ({
      %run_scoped3A_77 = tpu.sem_alloc : memref<!tpu.dma_semaphore, #tpu.memory_space<semaphore_mem>>
      %dma_start3A = tpu.memref_slice %arg4[%add3A_30, %mul3A_32] : memref<4x5120xf32, #tpu.memory_space<hbm>> -> memref<1x640xf32, #tpu.memory_space<hbm>>
      %dma_start3A_78 = tpu.memref_squeeze %dma_start3A : memref<1x640xf32, #tpu.memory_space<hbm>> -> memref<640xf32, #tpu.memory_space<hbm>>
      %dma_start3A_79 = tpu.memref_slice %arg4[%add3A_30, %mul3A_32] : memref<4x5120xf32, #tpu.memory_space<hbm>> -> memref<1x640xf32, #tpu.memory_space<hbm>>
      %dma_start3A_80 = tpu.memref_squeeze %dma_start3A_79 : memref<1x640xf32, #tpu.memory_space<hbm>> -> memref<640xf32, #tpu.memory_space<hbm>>
      tpu.enqueue_dma source(%dma_start3A_80 : memref<640xf32, #tpu.memory_space<hbm>>) target(%arg16 : memref<640xf32, #tpu.memory_space<vmem>>) target_semaphore(%run_scoped3A_77 : memref<!tpu.dma_semaphore, #tpu.memory_space<semaphore_mem>>)
      %dma_wait3A = tpu.memref_slice %arg4[%add3A_30, %mul3A_32] : memref<4x5120xf32, #tpu.memory_space<hbm>> -> memref<1x640xf32, #tpu.memory_space<hbm>>
      %dma_wait3A_81 = tpu.memref_squeeze %dma_wait3A : memref<1x640xf32, #tpu.memory_space<hbm>> -> memref<640xf32, #tpu.memory_space<hbm>>
      %dma_wait3A_82 = tpu.memref_slice %arg4[%add3A_30, %mul3A_32] : memref<4x5120xf32, #tpu.memory_space<hbm>> -> memref<1x640xf32, #tpu.memory_space<hbm>>
      %dma_wait3A_83 = tpu.memref_squeeze %dma_wait3A_82 : memref<1x640xf32, #tpu.memory_space<hbm>> -> memref<640xf32, #tpu.memory_space<hbm>>
      tpu.wait_dma2 semaphore(%run_scoped3A_77 : memref<!tpu.dma_semaphore, #tpu.memory_space<semaphore_mem>>) src(%dma_wait3A_83 : memref<640xf32, #tpu.memory_space<hbm>>) dst(%arg16 : memref<640xf32, #tpu.memory_space<vmem>>)
      tpu.yield
    }) : () -> ()
    "tpu.region"() ({
      %run_scoped3A_77 = tpu.sem_alloc : memref<!tpu.dma_semaphore, #tpu.memory_space<semaphore_mem>>
      %dma_start3A = tpu.memref_slice %arg5[%add3A_30, %mul3A_32] : memref<4x5120xf32, #tpu.memory_space<hbm>> -> memref<1x640xf32, #tpu.memory_space<hbm>>
      %dma_start3A_78 = tpu.memref_squeeze %dma_start3A : memref<1x640xf32, #tpu.memory_space<hbm>> -> memref<640xf32, #tpu.memory_space<hbm>>
      %dma_start3A_79 = tpu.memref_slice %arg5[%add3A_30, %mul3A_32] : memref<4x5120xf32, #tpu.memory_space<hbm>> -> memref<1x640xf32, #tpu.memory_space<hbm>>
      %dma_start3A_80 = tpu.memref_squeeze %dma_start3A_79 : memref<1x640xf32, #tpu.memory_space<hbm>> -> memref<640xf32, #tpu.memory_space<hbm>>
      tpu.enqueue_dma source(%dma_start3A_80 : memref<640xf32, #tpu.memory_space<hbm>>) target(%arg17 : memref<640xf32, #tpu.memory_space<vmem>>) target_semaphore(%run_scoped3A_77 : memref<!tpu.dma_semaphore, #tpu.memory_space<semaphore_mem>>)
      %dma_wait3A = tpu.memref_slice %arg5[%add3A_30, %mul3A_32] : memref<4x5120xf32, #tpu.memory_space<hbm>> -> memref<1x640xf32, #tpu.memory_space<hbm>>
      %dma_wait3A_81 = tpu.memref_squeeze %dma_wait3A : memref<1x640xf32, #tpu.memory_space<hbm>> -> memref<640xf32, #tpu.memory_space<hbm>>
      %dma_wait3A_82 = tpu.memref_slice %arg5[%add3A_30, %mul3A_32] : memref<4x5120xf32, #tpu.memory_space<hbm>> -> memref<1x640xf32, #tpu.memory_space<hbm>>
      %dma_wait3A_83 = tpu.memref_squeeze %dma_wait3A_82 : memref<1x640xf32, #tpu.memory_space<hbm>> -> memref<640xf32, #tpu.memory_space<hbm>>
      tpu.wait_dma2 semaphore(%run_scoped3A_77 : memref<!tpu.dma_semaphore, #tpu.memory_space<semaphore_mem>>) src(%dma_wait3A_83 : memref<640xf32, #tpu.memory_space<hbm>>) dst(%arg17 : memref<640xf32, #tpu.memory_space<vmem>>)
      tpu.yield
    }) : () -> ()
    "tpu.region"() ({
      %run_scoped3A_77 = tpu.sem_alloc : memref<!tpu.dma_semaphore, #tpu.memory_space<semaphore_mem>>
      %dma_start3A = tpu.memref_slice %arg6[%add3A_30, %mul3A_32] : memref<4x5120xf32, #tpu.memory_space<hbm>> -> memref<1x640xf32, #tpu.memory_space<hbm>>
      %dma_start3A_78 = tpu.memref_squeeze %dma_start3A : memref<1x640xf32, #tpu.memory_space<hbm>> -> memref<640xf32, #tpu.memory_space<hbm>>
      %dma_start3A_79 = tpu.memref_slice %arg6[%add3A_30, %mul3A_32] : memref<4x5120xf32, #tpu.memory_space<hbm>> -> memref<1x640xf32, #tpu.memory_space<hbm>>
      %dma_start3A_80 = tpu.memref_squeeze %dma_start3A_79 : memref<1x640xf32, #tpu.memory_space<hbm>> -> memref<640xf32, #tpu.memory_space<hbm>>
      tpu.enqueue_dma source(%dma_start3A_80 : memref<640xf32, #tpu.memory_space<hbm>>) target(%arg18 : memref<640xf32, #tpu.memory_space<vmem>>) target_semaphore(%run_scoped3A_77 : memref<!tpu.dma_semaphore, #tpu.memory_space<semaphore_mem>>)
      %dma_wait3A = tpu.memref_slice %arg6[%add3A_30, %mul3A_32] : memref<4x5120xf32, #tpu.memory_space<hbm>> -> memref<1x640xf32, #tpu.memory_space<hbm>>
      %dma_wait3A_81 = tpu.memref_squeeze %dma_wait3A : memref<1x640xf32, #tpu.memory_space<hbm>> -> memref<640xf32, #tpu.memory_space<hbm>>
      %dma_wait3A_82 = tpu.memref_slice %arg6[%add3A_30, %mul3A_32] : memref<4x5120xf32, #tpu.memory_space<hbm>> -> memref<1x640xf32, #tpu.memory_space<hbm>>
      %dma_wait3A_83 = tpu.memref_squeeze %dma_wait3A_82 : memref<1x640xf32, #tpu.memory_space<hbm>> -> memref<640xf32, #tpu.memory_space<hbm>>
      tpu.wait_dma2 semaphore(%run_scoped3A_77 : memref<!tpu.dma_semaphore, #tpu.memory_space<semaphore_mem>>) src(%dma_wait3A_83 : memref<640xf32, #tpu.memory_space<hbm>>) dst(%arg18 : memref<640xf32, #tpu.memory_space<vmem>>)
      tpu.yield
    }) : () -> ()
    "tpu.region"() ({
      %run_scoped3A_77 = tpu.sem_alloc : memref<!tpu.dma_semaphore, #tpu.memory_space<semaphore_mem>>
      %dma_start3A = tpu.memref_slice %arg7[%add3A_30, %mul3A_32] : memref<4x5120xf32, #tpu.memory_space<hbm>> -> memref<1x640xf32, #tpu.memory_space<hbm>>
      %dma_start3A_78 = tpu.memref_squeeze %dma_start3A : memref<1x640xf32, #tpu.memory_space<hbm>> -> memref<640xf32, #tpu.memory_space<hbm>>
      %dma_start3A_79 = tpu.memref_slice %arg7[%add3A_30, %mul3A_32] : memref<4x5120xf32, #tpu.memory_space<hbm>> -> memref<1x640xf32, #tpu.memory_space<hbm>>
      %dma_start3A_80 = tpu.memref_squeeze %dma_start3A_79 : memref<1x640xf32, #tpu.memory_space<hbm>> -> memref<640xf32, #tpu.memory_space<hbm>>
      tpu.enqueue_dma source(%dma_start3A_80 : memref<640xf32, #tpu.memory_space<hbm>>) target(%arg21 : memref<640xf32, #tpu.memory_space<vmem>>) target_semaphore(%run_scoped3A_77 : memref<!tpu.dma_semaphore, #tpu.memory_space<semaphore_mem>>)
      %dma_wait3A = tpu.memref_slice %arg7[%add3A_30, %mul3A_32] : memref<4x5120xf32, #tpu.memory_space<hbm>> -> memref<1x640xf32, #tpu.memory_space<hbm>>
      %dma_wait3A_81 = tpu.memref_squeeze %dma_wait3A : memref<1x640xf32, #tpu.memory_space<hbm>> -> memref<640xf32, #tpu.memory_space<hbm>>
      %dma_wait3A_82 = tpu.memref_slice %arg7[%add3A_30, %mul3A_32] : memref<4x5120xf32, #tpu.memory_space<hbm>> -> memref<1x640xf32, #tpu.memory_space<hbm>>
      %dma_wait3A_83 = tpu.memref_squeeze %dma_wait3A_82 : memref<1x640xf32, #tpu.memory_space<hbm>> -> memref<640xf32, #tpu.memory_space<hbm>>
      tpu.wait_dma2 semaphore(%run_scoped3A_77 : memref<!tpu.dma_semaphore, #tpu.memory_space<semaphore_mem>>) src(%dma_wait3A_83 : memref<640xf32, #tpu.memory_space<hbm>>) dst(%arg21 : memref<640xf32, #tpu.memory_space<vmem>>)
      tpu.yield
    }) : () -> ()
    "tpu.region"() ({
      %run_scoped3A_77 = tpu.sem_alloc : memref<!tpu.dma_semaphore, #tpu.memory_space<semaphore_mem>>
      %dma_start3A = tpu.memref_slice %arg8[%add3A_30, %mul3A_32] : memref<4x5120xi32, #tpu.memory_space<hbm>> -> memref<1x640xi32, #tpu.memory_space<hbm>>
      %dma_start3A_78 = tpu.memref_squeeze %dma_start3A : memref<1x640xi32, #tpu.memory_space<hbm>> -> memref<640xi32, #tpu.memory_space<hbm>>
      %dma_start3A_79 = tpu.memref_slice %arg8[%add3A_30, %mul3A_32] : memref<4x5120xi32, #tpu.memory_space<hbm>> -> memref<1x640xi32, #tpu.memory_space<hbm>>
      %dma_start3A_80 = tpu.memref_squeeze %dma_start3A_79 : memref<1x640xi32, #tpu.memory_space<hbm>> -> memref<640xi32, #tpu.memory_space<hbm>>
      tpu.enqueue_dma source(%dma_start3A_80 : memref<640xi32, #tpu.memory_space<hbm>>) target(%arg22 : memref<640xi32, #tpu.memory_space<vmem>>) target_semaphore(%run_scoped3A_77 : memref<!tpu.dma_semaphore, #tpu.memory_space<semaphore_mem>>)
      %dma_wait3A = tpu.memref_slice %arg8[%add3A_30, %mul3A_32] : memref<4x5120xi32, #tpu.memory_space<hbm>> -> memref<1x640xi32, #tpu.memory_space<hbm>>
      %dma_wait3A_81 = tpu.memref_squeeze %dma_wait3A : memref<1x640xi32, #tpu.memory_space<hbm>> -> memref<640xi32, #tpu.memory_space<hbm>>
      %dma_wait3A_82 = tpu.memref_slice %arg8[%add3A_30, %mul3A_32] : memref<4x5120xi32, #tpu.memory_space<hbm>> -> memref<1x640xi32, #tpu.memory_space<hbm>>
      %dma_wait3A_83 = tpu.memref_squeeze %dma_wait3A_82 : memref<1x640xi32, #tpu.memory_space<hbm>> -> memref<640xi32, #tpu.memory_space<hbm>>
      tpu.wait_dma2 semaphore(%run_scoped3A_77 : memref<!tpu.dma_semaphore, #tpu.memory_space<semaphore_mem>>) src(%dma_wait3A_83 : memref<640xi32, #tpu.memory_space<hbm>>) dst(%arg22 : memref<640xi32, #tpu.memory_space<vmem>>)
      tpu.yield
    }) : () -> ()
    %scan3A = arith.constant 0xFF800000 : f32
    %scan3A_45 = arith.constant 0 : i32
    %scan3A_46 = arith.constant 40 : i32
    %scan3A_47 = arith.addi %scan3A_45, %scan3A_46 : i32
    %scan3A_48 = arith.constant 1 : i32
    %scan3A_49:4 = scf.for %scan3A_77 = %scan3A_45 to %scan3A_47 step %scan3A_48 iter_args(%scan3A_78 = %broadcast_in_dim3A_33, %scan3A_79 = %broadcast_in_dim3A_37, %scan3A_80 = %broadcast_in_dim3A_33, %scan3A_81 = %broadcast_in_dim3A_37) -> (vector<16xf32>, vector<16xi32>, vector<16xf32>, vector<16xi32>)  : i32 {
      %mul3A_82 = arith.constant 16 : i32
      %mul3A_83 = arith.muli %scan3A_77, %mul3A_82 : i32
      %get3A_84 = arith.index_cast %mul3A_83 : i32 to index
      %get3A_85 = tpu.vector_load %arg22[%get3A_84] {strides = array<i32>} : memref<640xi32, #tpu.memory_space<vmem>>, vector<16xi32>,
      %convert_element_type3A_86 = arith.sitofp %get3A_85 : vector<16xi32> to vector<16xf32>
      %add3A_87 = arith.constant 1.000000e+00 : f32
      %add3A_88 = arith.addf %squeeze3A, %add3A_87 : f32
      %mul3A_89 = vector.broadcast %add3A_88 : f32 to vector<16xf32>
      %mul3A_90 = arith.mulf %convert_element_type3A_86, %mul3A_89 : vector<16xf32>
      %get3A_91 = arith.index_cast %mul3A_83 : i32 to index
      %get3A_92 = tpu.vector_load %arg15[%get3A_91] {strides = array<i32>} : memref<640xf32, #tpu.memory_space<vmem>>, vector<16xf32>,
      %max3A = arith.constant 0.000000e+00 : f32
      %max3A_93 = vector.broadcast %max3A : f32 to vector<16xf32>
      %max3A_94 = arith.maximumf %get3A_92, %max3A_93 : vector<16xf32>
      %min3A = vector.broadcast %squeeze3A : f32 to vector<16xf32>
      %min3A_95 = arith.minimumf %max3A_94, %min3A : vector<16xf32>
      %get3A_96 = arith.index_cast %mul3A_83 : i32 to index
      %get3A_97 = tpu.vector_load %arg16[%get3A_96] {strides = array<i32>} : memref<640xf32, #tpu.memory_space<vmem>>, vector<16xf32>,
      %max3A_98 = arith.constant 0.000000e+00 : f32
      %max3A_99 = vector.broadcast %max3A_98 : f32 to vector<16xf32>
      %max3A_100 = arith.maximumf %get3A_97, %max3A_99 : vector<16xf32>
      %min3A_101 = vector.broadcast %squeeze3A : f32 to vector<16xf32>
      %min3A_102 = arith.minimumf %max3A_100, %min3A_101 : vector<16xf32>
      %get3A_103 = arith.index_cast %mul3A_83 : i32 to index
      %get3A_104 = tpu.vector_load %arg17[%get3A_103] {strides = array<i32>} : memref<640xf32, #tpu.memory_space<vmem>>, vector<16xf32>,
      %max3A_105 = arith.constant 0.000000e+00 : f32
      %max3A_106 = vector.broadcast %max3A_105 : f32 to vector<16xf32>
      %max3A_107 = arith.maximumf %get3A_104, %max3A_106 : vector<16xf32>
      %min3A_108 = vector.broadcast %squeeze3A : f32 to vector<16xf32>
      %min3A_109 = arith.minimumf %max3A_107, %min3A_108 : vector<16xf32>
      %get3A_110 = arith.index_cast %mul3A_83 : i32 to index
      %get3A_111 = tpu.vector_load %arg18[%get3A_110] {strides = array<i32>} : memref<640xf32, #tpu.memory_space<vmem>>, vector<16xf32>,
      %max3A_112 = arith.constant 0.000000e+00 : f32
      %max3A_113 = vector.broadcast %max3A_112 : f32 to vector<16xf32>
      %max3A_114 = arith.maximumf %get3A_111, %max3A_113 : vector<16xf32>
      %min3A_115 = vector.broadcast %squeeze3A : f32 to vector<16xf32>
      %min3A_116 = arith.minimumf %max3A_114, %min3A_115 : vector<16xf32>
      %swap3A_117 = arith.index_cast %mul3A_83 : i32 to index
      %swap3A_118 = tpu.vector_load %arg15[%swap3A_117] {strides = array<i32>} : memref<640xf32, #tpu.memory_space<vmem>>, vector<16xf32>,
      tpu.vector_store %arg15[%swap3A_117], %min3A_95 {strides = array<i32>} : memref<640xf32, #tpu.memory_space<vmem>>, vector<16xf32>,
      %swap3A_119 = arith.index_cast %mul3A_83 : i32 to index
      %swap3A_120 = tpu.vector_load %arg16[%swap3A_119] {strides = array<i32>} : memref<640xf32, #tpu.memory_space<vmem>>, vector<16xf32>,
      tpu.vector_store %arg16[%swap3A_119], %min3A_102 {strides = array<i32>} : memref<640xf32, #tpu.memory_space<vmem>>, vector<16xf32>,
      %swap3A_121 = arith.index_cast %mul3A_83 : i32 to index
      %swap3A_122 = tpu.vector_load %arg17[%swap3A_121] {strides = array<i32>} : memref<640xf32, #tpu.memory_space<vmem>>, vector<16xf32>,
      tpu.vector_store %arg17[%swap3A_121], %min3A_109 {strides = array<i32>} : memref<640xf32, #tpu.memory_space<vmem>>, vector<16xf32>,
      %swap3A_123 = arith.index_cast %mul3A_83 : i32 to index
      %swap3A_124 = tpu.vector_load %arg18[%swap3A_123] {strides = array<i32>} : memref<640xf32, #tpu.memory_space<vmem>>, vector<16xf32>,
      tpu.vector_store %arg18[%swap3A_123], %min3A_116 {strides = array<i32>} : memref<640xf32, #tpu.memory_space<vmem>>, vector<16xf32>,
      %add3A_125 = arith.addf %min3A_95, %mul3A_90 : vector<16xf32>
      %add3A_126 = arith.addf %min3A_102, %mul3A_90 : vector<16xf32>
      %add3A_127 = arith.addf %min3A_109, %mul3A_90 : vector<16xf32>
      %add3A_128 = arith.addf %min3A_116, %mul3A_90 : vector<16xf32>
      %swap3A_129 = arith.index_cast %mul3A_83 : i32 to index
      %swap3A_130 = tpu.vector_load %arg11[%swap3A_129] {strides = array<i32>} : memref<640xf32, #tpu.memory_space<vmem>>, vector<16xf32>,
      tpu.vector_store %arg11[%swap3A_129], %add3A_125 {strides = array<i32>} : memref<640xf32, #tpu.memory_space<vmem>>, vector<16xf32>,
      %swap3A_131 = arith.index_cast %mul3A_83 : i32 to index
      %swap3A_132 = tpu.vector_load %arg12[%swap3A_131] {strides = array<i32>} : memref<640xf32, #tpu.memory_space<vmem>>, vector<16xf32>,
      tpu.vector_store %arg12[%swap3A_131], %add3A_126 {strides = array<i32>} : memref<640xf32, #tpu.memory_space<vmem>>, vector<16xf32>,
      %swap3A_133 = arith.index_cast %mul3A_83 : i32 to index
      %swap3A_134 = tpu.vector_load %arg13[%swap3A_133] {strides = array<i32>} : memref<640xf32, #tpu.memory_space<vmem>>, vector<16xf32>,
      tpu.vector_store %arg13[%swap3A_133], %add3A_127 {strides = array<i32>} : memref<640xf32, #tpu.memory_space<vmem>>, vector<16xf32>,
      %swap3A_135 = arith.index_cast %mul3A_83 : i32 to index
      %swap3A_136 = tpu.vector_load %arg14[%swap3A_135] {strides = array<i32>} : memref<640xf32, #tpu.memory_space<vmem>>, vector<16xf32>,
      tpu.vector_store %arg14[%swap3A_135], %add3A_128 {strides = array<i32>} : memref<640xf32, #tpu.memory_space<vmem>>, vector<16xf32>,
      %sub3A_137 = arith.subf %add3A_127, %add3A_125 : vector<16xf32>
      %sub3A_138 = arith.subf %add3A_128, %add3A_126 : vector<16xf32>
      %mul3A_139 = arith.mulf %sub3A_137, %sub3A_138 : vector<16xf32>
      %swap3A_140 = arith.index_cast %mul3A_83 : i32 to index
      %swap3A_141 = tpu.vector_load %arg19[%swap3A_140] {strides = array<i32>} : memref<640xf32, #tpu.memory_space<vmem>>, vector<16xf32>,
      tpu.vector_store %arg19[%swap3A_140], %mul3A_139 {strides = array<i32>} : memref<640xf32, #tpu.memory_space<vmem>>, vector<16xf32>,
      %get3A_142 = arith.index_cast %mul3A_83 : i32 to index
      %get3A_143 = tpu.vector_load %arg21[%get3A_142] {strides = array<i32>} : memref<640xf32, #tpu.memory_space<vmem>>, vector<16xf32>,
      %eq3A_144 = arith.constant 0 : i32
      %eq3A_145 = vector.broadcast %eq3A_144 : i32 to vector<16xi32>
      %eq3A_146 = arith.cmpi eq, %get3A_85, %eq3A_145 : vector<16xi32>
      %broadcast_in_dim3A_147 = vector.broadcast %squeeze3A_42 : f32 to vector<16xf32>
      %broadcast_in_dim3A_148 = vector.broadcast %squeeze3A_44 : f32 to vector<16xf32>
      %select_n3A_149 = arith.select %eq3A_146, %broadcast_in_dim3A_147, %broadcast_in_dim3A_148 : vector<16xi1>, vector<16xf32>
      %mul3A_150 = arith.mulf %get3A_143, %select_n3A_149 : vector<16xf32>
      %gt3A = arith.constant 3.000000e-01 : f32
      %gt3A_151 = vector.broadcast %gt3A : f32 to vector<16xf32>
      %gt3A_152 = arith.cmpf ogt, %get3A_143, %gt3A_151 : vector<16xf32>
      %broadcast_in_dim3A_153 = vector.broadcast %scan3A : f32 to vector<16xf32>
      %select_n3A_154 = arith.select %gt3A_152, %mul3A_150, %broadcast_in_dim3A_153 : vector<16xi1>, vector<16xf32>
      %swap3A_155 = arith.index_cast %mul3A_83 : i32 to index
      %swap3A_156 = tpu.vector_load %arg20[%swap3A_155] {strides = array<i32>} : memref<640xf32, #tpu.memory_space<vmem>>, vector<16xf32>,
      tpu.vector_store %arg20[%swap3A_155], %select_n3A_154 {strides = array<i32>} : memref<640xf32, #tpu.memory_space<vmem>>, vector<16xf32>,
      %mul3A_157 = arith.constant 16 : i32
      %mul3A_158 = arith.muli %scan3A_77, %mul3A_157 : i32
      %add3A_159 = vector.broadcast %mul3A_158 : i32 to vector<16xi32>
      %add3A_160 = arith.addi %iota3A, %add3A_159 : vector<16xi32>
      %gt3A_161 = arith.cmpf ogt, %select_n3A_154, %scan3A_78 : vector<16xf32>
      %select_n3A_162 = arith.select %gt3A_161, %scan3A_78, %select_n3A_154 : vector<16xi1>, vector<16xf32>
      %select_n3A_163 = arith.select %gt3A_161, %scan3A_79, %add3A_160 : vector<16xi1>, vector<16xi32>
      %gt3A_164 = arith.cmpf ogt, %select_n3A_162, %scan3A_80 : vector<16xf32>
      %select_n3A_165 = arith.select %gt3A_161, %select_n3A_154, %scan3A_78 : vector<16xi1>, vector<16xf32>
      %select_n3A_166 = arith.select %gt3A_161, %add3A_160, %scan3A_79 : vector<16xi1>, vector<16xi32>
      %select_n3A_167 = arith.select %gt3A_164, %select_n3A_162, %scan3A_80 : vector<16xi1>, vector<16xf32>
      %select_n3A_168 = arith.select %gt3A_164, %select_n3A_163, %scan3A_81 : vector<16xi1>, vector<16xi32>
      scf.yield %select_n3A_165, %select_n3A_166, %select_n3A_167, %select_n3A_168 : vector<16xf32>, vector<16xi32>, vector<16xf32>, vector<16xi32>
    }
    %scan3A_50 = arith.constant 40 : i32
    %eq3A_51 = arith.constant 0 : i32
    %eq3A_52 = arith.cmpi eq, %select_n3A_28, %eq3A_51 : i32
    %convert_element_type3A = arith.extui %eq3A_52 : i1 to i32
    %cond3A = arith.constant 0 : i32
    %cond3A_53 = arith.cmpi ne, %convert_element_type3A, %cond3A : i32
    scf.if %cond3A_53 {
      %eq3A_77 = arith.constant 7 : i32
      %eq3A_78 = vector.broadcast %eq3A_77 : i32 to vector<16xi32>
      %eq3A_79 = arith.cmpi eq, %iota3A, %eq3A_78 : vector<16xi32>
      %jit3A_80 = arith.constant -1.000000e+00 : f32
      %jit3A_81 = arith.constant 0.000000e+00 : f32
      %broadcast_in_dim3A_82 = vector.broadcast %jit3A_80 : f32 to vector<16xf32>
      %broadcast_in_dim3A_83 = vector.broadcast %jit3A_81 : f32 to vector<16xf32>
      %select_n3A_84 = arith.select %eq3A_79, %broadcast_in_dim3A_82, %broadcast_in_dim3A_83 : vector<16xi1>, vector<16xf32>
      %scan3A_85 = arith.constant 0 : i32
      %scan3A_86 = arith.constant 0 : i32
      %scan3A_87 = arith.constant 304 : i32
      %scan3A_88 = arith.addi %scan3A_86, %scan3A_87 : i32
      %scan3A_89 = arith.constant 1 : i32
      %scan3A_90 = scf.for %scan3A_92 = %scan3A_86 to %scan3A_88 step %scan3A_89 iter_args(%scan3A_93 = %scan3A_85) -> (i32)  : i32 {
        %swap3A_94 = arith.index_cast %scan3A_92 : i32 to index
        %swap3A_95 = arith.constant 0 : index
        %swap3A_96 = tpu.vector_load %arg25[%swap3A_94, %swap3A_95] {strides = array<i32>} : memref<304x16xf32, #tpu.memory_space<vmem>>, vector<16xf32>,
        tpu.vector_store %arg25[%swap3A_94, %swap3A_95], %select_n3A_84 {strides = array<i32>} : memref<304x16xf32, #tpu.memory_space<vmem>>, vector<16xf32>,
        %scan3A_97 = arith.constant 0 : i32
        scf.yield %scan3A_97 : i32
      }
      %scan3A_91 = arith.constant 304 : i32
    } else {
    }
    %swap3A = arith.constant 0 : i32
    %swap3A_54 = arith.index_cast %swap3A : i32 to index
    %swap3A_55 = arith.constant 0 : index
    %swap3A_56 = tpu.vector_load %arg23[%swap3A_54, %swap3A_55] {strides = array<i32>} : memref<2x16xf32, #tpu.memory_space<vmem>>, vector<16xf32>,
    tpu.vector_store %arg23[%swap3A_54, %swap3A_55], %broadcast_in_dim3A_33 {strides = array<i32>} : memref<2x16xf32, #tpu.memory_space<vmem>>, vector<16xf32>,
    %swap3A_57 = arith.constant 1 : i32
    %swap3A_58 = arith.index_cast %swap3A_57 : i32 to index
    %swap3A_59 = arith.constant 0 : index
    %swap3A_60 = tpu.vector_load %arg23[%swap3A_58, %swap3A_59] {strides = array<i32>} : memref<2x16xf32, #tpu.memory_space<vmem>>, vector<16xf32>,
    tpu.vector_store %arg23[%swap3A_58, %swap3A_59], %broadcast_in_dim3A_33 {strides = array<i32>} : memref<2x16xf32, #tpu.memory_space<vmem>>, vector<16xf32>,
    %mul3A_61 = arith.constant 2 : i32
    %mul3A_62 = arith.muli %mul3A_61, %select_n3A_28 : i32
    %run_scoped3A = arith.constant 1 : i32
    "tpu.region"() ({
      %run_scoped3A_77 = tpu.sem_alloc : memref<!tpu.dma_semaphore, #tpu.memory_space<semaphore_mem>>
      %dma_start3A = arith.constant 0 : i32
      %dma_start3A_78 = tpu.memref_slice %arg26[%run_scoped3A, %select_n3A, %mul3A_62, %dma_start3A] : memref<3x2x16x16xf32, #tpu.memory_space<vmem_shared>> -> memref<1x1x2x16xf32, #tpu.memory_space<vmem_shared>>
      %dma_start3A_79 = tpu.memref_squeeze %dma_start3A_78 : memref<1x1x2x16xf32, #tpu.memory_space<vmem_shared>> -> memref<2x16xf32, #tpu.memory_space<vmem_shared>>
      %dma_start3A_80 = arith.constant 0 : i32
      %dma_start3A_81 = tpu.memref_slice %arg26[%run_scoped3A, %select_n3A, %mul3A_62, %dma_start3A_80] : memref<3x2x16x16xf32, #tpu.memory_space<vmem_shared>> -> memref<1x1x2x16xf32, #tpu.memory_space<vmem_shared>>
      %dma_start3A_82 = tpu.memref_squeeze %dma_start3A_81 : memref<1x1x2x16xf32, #tpu.memory_space<vmem_shared>> -> memref<2x16xf32, #tpu.memory_space<vmem_shared>>
      tpu.enqueue_dma source(%arg23 : memref<2x16xf32, #tpu.memory_space<vmem>>) target(%dma_start3A_82 : memref<2x16xf32, #tpu.memory_space<vmem_shared>>) target_semaphore(%run_scoped3A_77 : memref<!tpu.dma_semaphore, #tpu.memory_space<semaphore_mem>>)
      %dma_wait3A = arith.constant 0 : i32
      %dma_wait3A_83 = tpu.memref_slice %arg26[%run_scoped3A, %select_n3A, %mul3A_62, %dma_wait3A] : memref<3x2x16x16xf32, #tpu.memory_space<vmem_shared>> -> memref<1x1x2x16xf32, #tpu.memory_space<vmem_shared>>
      %dma_wait3A_84 = tpu.memref_squeeze %dma_wait3A_83 : memref<1x1x2x16xf32, #tpu.memory_space<vmem_shared>> -> memref<2x16xf32, #tpu.memory_space<vmem_shared>>
      %dma_wait3A_85 = arith.constant 0 : i32
      %dma_wait3A_86 = tpu.memref_slice %arg26[%run_scoped3A, %select_n3A, %mul3A_62, %dma_wait3A_85] : memref<3x2x16x16xf32, #tpu.memory_space<vmem_shared>> -> memref<1x1x2x16xf32, #tpu.memory_space<vmem_shared>>
      %dma_wait3A_87 = tpu.memref_squeeze %dma_wait3A_86 : memref<1x1x2x16xf32, #tpu.memory_space<vmem_shared>> -> memref<2x16xf32, #tpu.memory_space<vmem_shared>>
      tpu.wait_dma2 semaphore(%run_scoped3A_77 : memref<!tpu.dma_semaphore, #tpu.memory_space<semaphore_mem>>) src(%arg23 : memref<2x16xf32, #tpu.memory_space<vmem>>) dst(%dma_wait3A_87 : memref<2x16xf32, #tpu.memory_space<vmem_shared>>)
      tpu.yield
    }) : () -> ()
    %mul3A_63 = arith.constant 2 : i32
    %mul3A_64 = arith.muli %mul3A_63, %select_n3A_28 : i32
    %run_scoped3A_65 = arith.constant 2 : i32
    "tpu.region"() ({
      %run_scoped3A_77 = tpu.sem_alloc : memref<!tpu.dma_semaphore, #tpu.memory_space<semaphore_mem>>
      %dma_start3A = arith.constant 0 : i32
      %dma_start3A_78 = tpu.memref_slice %arg26[%run_scoped3A_65, %select_n3A, %mul3A_64, %dma_start3A] : memref<3x2x16x16xf32, #tpu.memory_space<vmem_shared>> -> memref<1x1x2x16xf32, #tpu.memory_space<vmem_shared>>
      %dma_start3A_79 = tpu.memref_squeeze %dma_start3A_78 : memref<1x1x2x16xf32, #tpu.memory_space<vmem_shared>> -> memref<2x16xf32, #tpu.memory_space<vmem_shared>>
      %dma_start3A_80 = arith.constant 0 : i32
      %dma_start3A_81 = tpu.memref_slice %arg26[%run_scoped3A_65, %select_n3A, %mul3A_64, %dma_start3A_80] : memref<3x2x16x16xf32, #tpu.memory_space<vmem_shared>> -> memref<1x1x2x16xf32, #tpu.memory_space<vmem_shared>>
      %dma_start3A_82 = tpu.memref_squeeze %dma_start3A_81 : memref<1x1x2x16xf32, #tpu.memory_space<vmem_shared>> -> memref<2x16xf32, #tpu.memory_space<vmem_shared>>
      tpu.enqueue_dma source(%arg23 : memref<2x16xf32, #tpu.memory_space<vmem>>) target(%dma_start3A_82 : memref<2x16xf32, #tpu.memory_space<vmem_shared>>) target_semaphore(%run_scoped3A_77 : memref<!tpu.dma_semaphore, #tpu.memory_space<semaphore_mem>>)
      %dma_wait3A = arith.constant 0 : i32
      %dma_wait3A_83 = tpu.memref_slice %arg26[%run_scoped3A_65, %select_n3A, %mul3A_64, %dma_wait3A] : memref<3x2x16x16xf32, #tpu.memory_space<vmem_shared>> -> memref<1x1x2x16xf32, #tpu.memory_space<vmem_shared>>
      %dma_wait3A_84 = tpu.memref_squeeze %dma_wait3A_83 : memref<1x1x2x16xf32, #tpu.memory_space<vmem_shared>> -> memref<2x16xf32, #tpu.memory_space<vmem_shared>>
      %dma_wait3A_85 = arith.constant 0 : i32
      %dma_wait3A_86 = tpu.memref_slice %arg26[%run_scoped3A_65, %select_n3A, %mul3A_64, %dma_wait3A_85] : memref<3x2x16x16xf32, #tpu.memory_space<vmem_shared>> -> memref<1x1x2x16xf32, #tpu.memory_space<vmem_shared>>
      %dma_wait3A_87 = tpu.memref_squeeze %dma_wait3A_86 : memref<1x1x2x16xf32, #tpu.memory_space<vmem_shared>> -> memref<2x16xf32, #tpu.memory_space<vmem_shared>>
      tpu.wait_dma2 semaphore(%run_scoped3A_77 : memref<!tpu.dma_semaphore, #tpu.memory_space<semaphore_mem>>) src(%arg23 : memref<2x16xf32, #tpu.memory_space<vmem>>) dst(%dma_wait3A_87 : memref<2x16xf32, #tpu.memory_space<vmem_shared>>)
      tpu.yield
    }) : () -> ()
    %barrier3A = arith.constant 0 : index
    tpu.barrier barrier_id(%barrier3A)
    %while3A = arith.constant 0xFF800000 : f32
    %while3A_66 = arith.constant 0x7F800000 : f32
    %while3A_67 = arith.constant 0 : i32
    %while3A_68 = arith.constant true
    %while3A_69 = arith.constant 0 : i32
    %while3A_70 = arith.constant false
    %while3A_71:8 = scf.while (%while3A_77 = %while3A_67, %while3A_78 = %while3A_68, %while3A_79 = %while3A_69, %while3A_80 = %while3A_70, %while3A_81 = %scan3A_49#0, %while3A_82 = %scan3A_49#1, %while3A_83 = %scan3A_49#2, %while3A_84 = %scan3A_49#3) : (i32, i1, i32, i1, vector<16xf32>, vector<16xi32>, vector<16xf32>, vector<16xi32>) -> (i32, i1, i32, i1, vector<16xf32>, vector<16xi32>, vector<16xf32>, vector<16xi32>) {
      %lt3A_85 = arith.constant 302 : i32
      %lt3A_86 = arith.cmpi slt, %while3A_77, %lt3A_85 : i32
      %and3A_87 = arith.andi %while3A_78, %lt3A_86 : i1
      scf.condition(%and3A_87) %while3A_77, %while3A_78, %while3A_79, %while3A_80, %while3A_81, %while3A_82, %while3A_83, %while3A_84 : i32, i1, i32, i1, vector<16xf32>, vector<16xi32>, vector<16xf32>, vector<16xi32>
    } do {
    ^bb0(%while3A_77: i32, %while3A_78: i1, %while3A_79: i32, %while3A_80: i1, %while3A_81: vector<16xf32>, %while3A_82: vector<16xi32>, %while3A_83: vector<16xf32>, %while3A_84: vector<16xi32>):
      %reduce_max3A = arith.constant true
      %reduce_max3A_85 = vector.broadcast %reduce_max3A : i1 to vector<16xi1>
      %reduce_max3A_86 = tpu.scan <max>, %while3A_81 masked %reduce_max3A_85 : vector<16xf32>, vector<16xi1> -> vector<16xf32>
      %reduce_max3A_87 = vector.extract %reduce_max3A_86[15] : f32 from vector<16xf32>
      %eq3A_88 = vector.broadcast %reduce_max3A_87 : f32 to vector<16xf32>
      %eq3A_89 = arith.cmpf oeq, %while3A_81, %eq3A_88 : vector<16xf32>
      %jit3A_90 = arith.constant 1073741824 : i32
      %broadcast_in_dim3A_91 = vector.broadcast %jit3A_90 : i32 to vector<16xi32>
      %select_n3A_92 = arith.select %eq3A_89, %while3A_82, %broadcast_in_dim3A_91 : vector<16xi1>, vector<16xi32>
      %reduce_min3A = arith.constant true
      %reduce_min3A_93 = vector.broadcast %reduce_min3A : i1 to vector<16xi1>
      %reduce_min3A_94 = arith.constant -2147483648 : i32
      %reduce_min3A_95 = vector.broadcast %reduce_min3A_94 : i32 to vector<16xi32>
      %reduce_min3A_96 = arith.xori %select_n3A_92, %reduce_min3A_95 : vector<16xi32>
      %reduce_min3A_97 = tpu.scan <min>, %reduce_min3A_96 masked %reduce_min3A_93 : vector<16xi32>, vector<16xi1> -> vector<16xi32>
      %reduce_min3A_98 = arith.xori %reduce_min3A_97, %reduce_min3A_95 : vector<16xi32>
      %reduce_min3A_99 = vector.extract %reduce_min3A_98[15] : i32 from vector<16xi32>
      %eq3A_100 = vector.broadcast %reduce_max3A_87 : f32 to vector<16xf32>
      %eq3A_101 = arith.cmpf oeq, %while3A_81, %eq3A_100 : vector<16xf32>
      %eq3A_102 = vector.broadcast %reduce_min3A_99 : i32 to vector<16xi32>
      %eq3A_103 = arith.cmpi eq, %while3A_82, %eq3A_102 : vector<16xi32>
      %and3A_104 = arith.andi %eq3A_101, %eq3A_103 : vector<16xi1>
      %broadcast_in_dim3A_105 = vector.broadcast %while3A : f32 to vector<16xf32>
      %select_n3A_106 = arith.select %and3A_104, %broadcast_in_dim3A_105, %while3A_81 : vector<16xi1>, vector<16xf32>
      %gt3A = arith.cmpf ogt, %while3A_83, %select_n3A_106 : vector<16xf32>
      %eq3A_107 = arith.cmpf oeq, %while3A_83, %select_n3A_106 : vector<16xf32>
      %lt3A_108 = arith.cmpi slt, %while3A_84, %while3A_82 : vector<16xi32>
      %and3A_109 = arith.andi %eq3A_107, %lt3A_108 : vector<16xi1>
      %or3A = arith.ori %gt3A, %and3A_109 : vector<16xi1>
      %select_n3A_110 = arith.select %or3A, %while3A_83, %select_n3A_106 : vector<16xi1>, vector<16xf32>
      %select_n3A_111 = arith.select %or3A, %while3A_84, %while3A_82 : vector<16xi1>, vector<16xi32>
      %reduce_max3A_112 = arith.constant true
      %reduce_max3A_113 = vector.broadcast %reduce_max3A_112 : i1 to vector<16xi1>
      %reduce_max3A_114 = tpu.scan <max>, %select_n3A_110 masked %reduce_max3A_113 : vector<16xf32>, vector<16xi1> -> vector<16xf32>
      %reduce_max3A_115 = vector.extract %reduce_max3A_114[15] : f32 from vector<16xf32>
      %eq3A_116 = vector.broadcast %reduce_max3A_115 : f32 to vector<16xf32>
      %eq3A_117 = arith.cmpf oeq, %select_n3A_110, %eq3A_116 : vector<16xf32>
      %jit3A_118 = arith.constant 1073741824 : i32
      %broadcast_in_dim3A_119 = vector.broadcast %jit3A_118 : i32 to vector<16xi32>
      %select_n3A_120 = arith.select %eq3A_117, %select_n3A_111, %broadcast_in_dim3A_119 : vector<16xi1>, vector<16xi32>
      %reduce_min3A_121 = arith.constant true
      %reduce_min3A_122 = vector.broadcast %reduce_min3A_121 : i1 to vector<16xi1>
      %reduce_min3A_123 = arith.constant -2147483648 : i32
      %reduce_min3A_124 = vector.broadcast %reduce_min3A_123 : i32 to vector<16xi32>
      %reduce_min3A_125 = arith.xori %select_n3A_120, %reduce_min3A_124 : vector<16xi32>
      %reduce_min3A_126 = tpu.scan <min>, %reduce_min3A_125 masked %reduce_min3A_122 : vector<16xi32>, vector<16xi1> -> vector<16xi32>
      %reduce_min3A_127 = arith.xori %reduce_min3A_126, %reduce_min3A_124 : vector<16xi32>
      %reduce_min3A_128 = vector.extract %reduce_min3A_127[15] : i32 from vector<16xi32>
      %jit3A_129 = arith.constant 1.000000e+00 : f32
      %jit3A_130 = arith.constant 0.000000e+00 : f32
      %select_n3A_131 = arith.select %while3A_80, %jit3A_129, %jit3A_130 : f32
      %eq3A_132 = arith.constant 12 : i32
      %eq3A_133 = vector.broadcast %eq3A_132 : i32 to vector<16xi32>
      %eq3A_134 = arith.cmpi eq, %iota3A, %eq3A_133 : vector<16xi32>
      %broadcast_in_dim3A_135 = vector.broadcast %reduce_min3A_99 : i32 to vector<16xi32>
      %broadcast_in_dim3A_136 = vector.broadcast %reduce_max3A_87 : f32 to vector<16xf32>
      %eq3A_137 = arith.constant 1 : i32
      %eq3A_138 = vector.broadcast %eq3A_137 : i32 to vector<16xi32>
      %eq3A_139 = arith.cmpi eq, %iota3A, %eq3A_138 : vector<16xi32>
      %add3A_140 = arith.addi %mul3A_32, %reduce_min3A_99 : i32
      %convert_element_type3A_141 = arith.sitofp %add3A_140 : i32 to f32
      %broadcast_in_dim3A_142 = vector.broadcast %convert_element_type3A_141 : f32 to vector<16xf32>
      %select_n3A_143 = arith.select %eq3A_139, %broadcast_in_dim3A_142, %broadcast_in_dim3A_136 : vector<16xi1>, vector<16xf32>
      %eq3A_144 = arith.constant 2 : i32
      %eq3A_145 = vector.broadcast %eq3A_144 : i32 to vector<16xi32>
      %eq3A_146 = arith.cmpi eq, %iota3A, %eq3A_145 : vector<16xi32>
      %gather3A = tpu.vector_load_idx %arg11[%broadcast_in_dim3A_135] : memref<640xf32, #tpu.memory_space<vmem>>[vector<16xi32>], vector<16xf32>,
      %select_n3A_147 = arith.select %eq3A_146, %gather3A, %select_n3A_143 : vector<16xi1>, vector<16xf32>
      %eq3A_148 = arith.constant 3 : i32
      %eq3A_149 = vector.broadcast %eq3A_148 : i32 to vector<16xi32>
      %eq3A_150 = arith.cmpi eq, %iota3A, %eq3A_149 : vector<16xi32>
      %gather3A_151 = tpu.vector_load_idx %arg12[%broadcast_in_dim3A_135] : memref<640xf32, #tpu.memory_space<vmem>>[vector<16xi32>], vector<16xf32>,
      %select_n3A_152 = arith.select %eq3A_150, %gather3A_151, %select_n3A_147 : vector<16xi1>, vector<16xf32>
      %eq3A_153 = arith.constant 4 : i32
      %eq3A_154 = vector.broadcast %eq3A_153 : i32 to vector<16xi32>
      %eq3A_155 = arith.cmpi eq, %iota3A, %eq3A_154 : vector<16xi32>
      %gather3A_156 = tpu.vector_load_idx %arg13[%broadcast_in_dim3A_135] : memref<640xf32, #tpu.memory_space<vmem>>[vector<16xi32>], vector<16xf32>,
      %select_n3A_157 = arith.select %eq3A_155, %gather3A_156, %select_n3A_152 : vector<16xi1>, vector<16xf32>
      %eq3A_158 = arith.constant 5 : i32
      %eq3A_159 = vector.broadcast %eq3A_158 : i32 to vector<16xi32>
      %eq3A_160 = arith.cmpi eq, %iota3A, %eq3A_159 : vector<16xi32>
      %gather3A_161 = tpu.vector_load_idx %arg14[%broadcast_in_dim3A_135] : memref<640xf32, #tpu.memory_space<vmem>>[vector<16xi32>], vector<16xf32>,
      %select_n3A_162 = arith.select %eq3A_160, %gather3A_161, %select_n3A_157 : vector<16xi1>, vector<16xf32>
      %eq3A_163 = arith.constant 6 : i32
      %eq3A_164 = vector.broadcast %eq3A_163 : i32 to vector<16xi32>
      %eq3A_165 = arith.cmpi eq, %iota3A, %eq3A_164 : vector<16xi32>
      %gather3A_166 = tpu.vector_load_idx %arg21[%broadcast_in_dim3A_135] : memref<640xf32, #tpu.memory_space<vmem>>[vector<16xi32>], vector<16xf32>,
      %select_n3A_167 = arith.select %eq3A_165, %gather3A_166, %select_n3A_162 : vector<16xi1>, vector<16xf32>
      %eq3A_168 = arith.constant 7 : i32
      %eq3A_169 = vector.broadcast %eq3A_168 : i32 to vector<16xi32>
      %eq3A_170 = arith.cmpi eq, %iota3A, %eq3A_169 : vector<16xi32>
      %gather3A_171 = tpu.vector_load_idx %arg22[%broadcast_in_dim3A_135] : memref<640xi32, #tpu.memory_space<vmem>>[vector<16xi32>], vector<16xi32>,
      %convert_element_type3A_172 = arith.sitofp %gather3A_171 : vector<16xi32> to vector<16xf32>
      %select_n3A_173 = arith.select %eq3A_170, %convert_element_type3A_172, %select_n3A_167 : vector<16xi1>, vector<16xf32>
      %eq3A_174 = arith.constant 8 : i32
      %eq3A_175 = vector.broadcast %eq3A_174 : i32 to vector<16xi32>
      %eq3A_176 = arith.cmpi eq, %iota3A, %eq3A_175 : vector<16xi32>
      %gather3A_177 = tpu.vector_load_idx %arg15[%broadcast_in_dim3A_135] : memref<640xf32, #tpu.memory_space<vmem>>[vector<16xi32>], vector<16xf32>,
      %select_n3A_178 = arith.select %eq3A_176, %gather3A_177, %select_n3A_173 : vector<16xi1>, vector<16xf32>
      %eq3A_179 = arith.constant 9 : i32
      %eq3A_180 = vector.broadcast %eq3A_179 : i32 to vector<16xi32>
      %eq3A_181 = arith.cmpi eq, %iota3A, %eq3A_180 : vector<16xi32>
      %gather3A_182 = tpu.vector_load_idx %arg16[%broadcast_in_dim3A_135] : memref<640xf32, #tpu.memory_space<vmem>>[vector<16xi32>], vector<16xf32>,
      %select_n3A_183 = arith.select %eq3A_181, %gather3A_182, %select_n3A_178 : vector<16xi1>, vector<16xf32>
      %eq3A_184 = arith.constant 10 : i32
      %eq3A_185 = vector.broadcast %eq3A_184 : i32 to vector<16xi32>
      %eq3A_186 = arith.cmpi eq, %iota3A, %eq3A_185 : vector<16xi32>
      %gather3A_187 = tpu.vector_load_idx %arg17[%broadcast_in_dim3A_135] : memref<640xf32, #tpu.memory_space<vmem>>[vector<16xi32>], vector<16xf32>,
      %select_n3A_188 = arith.select %eq3A_186, %gather3A_187, %select_n3A_183 : vector<16xi1>, vector<16xf32>
      %eq3A_189 = arith.constant 11 : i32
      %eq3A_190 = vector.broadcast %eq3A_189 : i32 to vector<16xi32>
      %eq3A_191 = arith.cmpi eq, %iota3A, %eq3A_190 : vector<16xi32>
      %gather3A_192 = tpu.vector_load_idx %arg18[%broadcast_in_dim3A_135] : memref<640xf32, #tpu.memory_space<vmem>>[vector<16xi32>], vector<16xf32>,
      %select_n3A_193 = arith.select %eq3A_191, %gather3A_192, %select_n3A_188 : vector<16xi1>, vector<16xf32>
      %broadcast_in_dim3A_194 = vector.broadcast %select_n3A_131 : f32 to vector<16xf32>
      %select_n3A_195 = arith.select %eq3A_134, %broadcast_in_dim3A_194, %select_n3A_193 : vector<16xi1>, vector<16xf32>
      %swap3A_196 = arith.constant 0 : i32
      %swap3A_197 = arith.index_cast %swap3A_196 : i32 to index
      %swap3A_198 = arith.constant 0 : index
      %swap3A_199 = tpu.vector_load %arg23[%swap3A_197, %swap3A_198] {strides = array<i32>} : memref<2x16xf32, #tpu.memory_space<vmem>>, vector<16xf32>,
      tpu.vector_store %arg23[%swap3A_197, %swap3A_198], %select_n3A_195 {strides = array<i32>} : memref<2x16xf32, #tpu.memory_space<vmem>>, vector<16xf32>,
      %eq3A_200 = arith.constant 12 : i32
      %eq3A_201 = vector.broadcast %eq3A_200 : i32 to vector<16xi32>
      %eq3A_202 = arith.cmpi eq, %iota3A, %eq3A_201 : vector<16xi32>
      %broadcast_in_dim3A_203 = vector.broadcast %reduce_min3A_128 : i32 to vector<16xi32>
      %broadcast_in_dim3A_204 = vector.broadcast %reduce_max3A_115 : f32 to vector<16xf32>
      %eq3A_205 = arith.constant 1 : i32
      %eq3A_206 = vector.broadcast %eq3A_205 : i32 to vector<16xi32>
      %eq3A_207 = arith.cmpi eq, %iota3A, %eq3A_206 : vector<16xi32>
      %add3A_208 = arith.addi %mul3A_32, %reduce_min3A_128 : i32
      %convert_element_type3A_209 = arith.sitofp %add3A_208 : i32 to f32
      %broadcast_in_dim3A_210 = vector.broadcast %convert_element_type3A_209 : f32 to vector<16xf32>
      %select_n3A_211 = arith.select %eq3A_207, %broadcast_in_dim3A_210, %broadcast_in_dim3A_204 : vector<16xi1>, vector<16xf32>
      %eq3A_212 = arith.constant 2 : i32
      %eq3A_213 = vector.broadcast %eq3A_212 : i32 to vector<16xi32>
      %eq3A_214 = arith.cmpi eq, %iota3A, %eq3A_213 : vector<16xi32>
      %gather3A_215 = tpu.vector_load_idx %arg11[%broadcast_in_dim3A_203] : memref<640xf32, #tpu.memory_space<vmem>>[vector<16xi32>], vector<16xf32>,
      %select_n3A_216 = arith.select %eq3A_214, %gather3A_215, %select_n3A_211 : vector<16xi1>, vector<16xf32>
      %eq3A_217 = arith.constant 3 : i32
      %eq3A_218 = vector.broadcast %eq3A_217 : i32 to vector<16xi32>
      %eq3A_219 = arith.cmpi eq, %iota3A, %eq3A_218 : vector<16xi32>
      %gather3A_220 = tpu.vector_load_idx %arg12[%broadcast_in_dim3A_203] : memref<640xf32, #tpu.memory_space<vmem>>[vector<16xi32>], vector<16xf32>,
      %select_n3A_221 = arith.select %eq3A_219, %gather3A_220, %select_n3A_216 : vector<16xi1>, vector<16xf32>
      %eq3A_222 = arith.constant 4 : i32
      %eq3A_223 = vector.broadcast %eq3A_222 : i32 to vector<16xi32>
      %eq3A_224 = arith.cmpi eq, %iota3A, %eq3A_223 : vector<16xi32>
      %gather3A_225 = tpu.vector_load_idx %arg13[%broadcast_in_dim3A_203] : memref<640xf32, #tpu.memory_space<vmem>>[vector<16xi32>], vector<16xf32>,
      %select_n3A_226 = arith.select %eq3A_224, %gather3A_225, %select_n3A_221 : vector<16xi1>, vector<16xf32>
      %eq3A_227 = arith.constant 5 : i32
      %eq3A_228 = vector.broadcast %eq3A_227 : i32 to vector<16xi32>
      %eq3A_229 = arith.cmpi eq, %iota3A, %eq3A_228 : vector<16xi32>
      %gather3A_230 = tpu.vector_load_idx %arg14[%broadcast_in_dim3A_203] : memref<640xf32, #tpu.memory_space<vmem>>[vector<16xi32>], vector<16xf32>,
      %select_n3A_231 = arith.select %eq3A_229, %gather3A_230, %select_n3A_226 : vector<16xi1>, vector<16xf32>
      %eq3A_232 = arith.constant 6 : i32
      %eq3A_233 = vector.broadcast %eq3A_232 : i32 to vector<16xi32>
      %eq3A_234 = arith.cmpi eq, %iota3A, %eq3A_233 : vector<16xi32>
      %gather3A_235 = tpu.vector_load_idx %arg21[%broadcast_in_dim3A_203] : memref<640xf32, #tpu.memory_space<vmem>>[vector<16xi32>], vector<16xf32>,
      %select_n3A_236 = arith.select %eq3A_234, %gather3A_235, %select_n3A_231 : vector<16xi1>, vector<16xf32>
      %eq3A_237 = arith.constant 7 : i32
      %eq3A_238 = vector.broadcast %eq3A_237 : i32 to vector<16xi32>
      %eq3A_239 = arith.cmpi eq, %iota3A, %eq3A_238 : vector<16xi32>
      %gather3A_240 = tpu.vector_load_idx %arg22[%broadcast_in_dim3A_203] : memref<640xi32, #tpu.memory_space<vmem>>[vector<16xi32>], vector<16xi32>,
      %convert_element_type3A_241 = arith.sitofp %gather3A_240 : vector<16xi32> to vector<16xf32>
      %select_n3A_242 = arith.select %eq3A_239, %convert_element_type3A_241, %select_n3A_236 : vector<16xi1>, vector<16xf32>
      %eq3A_243 = arith.constant 8 : i32
      %eq3A_244 = vector.broadcast %eq3A_243 : i32 to vector<16xi32>
      %eq3A_245 = arith.cmpi eq, %iota3A, %eq3A_244 : vector<16xi32>
      %gather3A_246 = tpu.vector_load_idx %arg15[%broadcast_in_dim3A_203] : memref<640xf32, #tpu.memory_space<vmem>>[vector<16xi32>], vector<16xf32>,
      %select_n3A_247 = arith.select %eq3A_245, %gather3A_246, %select_n3A_242 : vector<16xi1>, vector<16xf32>
      %eq3A_248 = arith.constant 9 : i32
      %eq3A_249 = vector.broadcast %eq3A_248 : i32 to vector<16xi32>
      %eq3A_250 = arith.cmpi eq, %iota3A, %eq3A_249 : vector<16xi32>
      %gather3A_251 = tpu.vector_load_idx %arg16[%broadcast_in_dim3A_203] : memref<640xf32, #tpu.memory_space<vmem>>[vector<16xi32>], vector<16xf32>,
      %select_n3A_252 = arith.select %eq3A_250, %gather3A_251, %select_n3A_247 : vector<16xi1>, vector<16xf32>
      %eq3A_253 = arith.constant 10 : i32
      %eq3A_254 = vector.broadcast %eq3A_253 : i32 to vector<16xi32>
      %eq3A_255 = arith.cmpi eq, %iota3A, %eq3A_254 : vector<16xi32>
      %gather3A_256 = tpu.vector_load_idx %arg17[%broadcast_in_dim3A_203] : memref<640xf32, #tpu.memory_space<vmem>>[vector<16xi32>], vector<16xf32>,
      %select_n3A_257 = arith.select %eq3A_255, %gather3A_256, %select_n3A_252 : vector<16xi1>, vector<16xf32>
      %eq3A_258 = arith.constant 11 : i32
      %eq3A_259 = vector.broadcast %eq3A_258 : i32 to vector<16xi32>
      %eq3A_260 = arith.cmpi eq, %iota3A, %eq3A_259 : vector<16xi32>
      %gather3A_261 = tpu.vector_load_idx %arg18[%broadcast_in_dim3A_203] : memref<640xf32, #tpu.memory_space<vmem>>[vector<16xi32>], vector<16xf32>,
      %select_n3A_262 = arith.select %eq3A_260, %gather3A_261, %select_n3A_257 : vector<16xi1>, vector<16xf32>
      %broadcast_in_dim3A_263 = vector.broadcast %select_n3A_131 : f32 to vector<16xf32>
      %select_n3A_264 = arith.select %eq3A_202, %broadcast_in_dim3A_263, %select_n3A_262 : vector<16xi1>, vector<16xf32>
      %swap3A_265 = arith.constant 1 : i32
      %swap3A_266 = arith.index_cast %swap3A_265 : i32 to index
      %swap3A_267 = arith.constant 0 : index
      %swap3A_268 = tpu.vector_load %arg23[%swap3A_266, %swap3A_267] {strides = array<i32>} : memref<2x16xf32, #tpu.memory_space<vmem>>, vector<16xf32>,
      tpu.vector_store %arg23[%swap3A_266, %swap3A_267], %select_n3A_264 {strides = array<i32>} : memref<2x16xf32, #tpu.memory_space<vmem>>, vector<16xf32>,
      %jit3A_269 = arith.constant 2 : i32
      %eq3A_270 = arith.constant 0 : i32
      %eq3A_271 = arith.cmpi eq, %jit3A_269, %eq3A_270 : i32
      %jit3A_272 = arith.constant 1 : i32
      %select_n3A_273 = arith.select %eq3A_271, %jit3A_272, %jit3A_269 : i32
      %rem3A_274 = arith.remsi %while3A_77, %select_n3A_273 : i32
      %ne3A_275 = arith.constant 0 : i32
      %ne3A_276 = arith.cmpi ne, %rem3A_274, %ne3A_275 : i32
      %lt3A_277 = arith.constant 0 : i32
      %lt3A_278 = arith.cmpi slt, %rem3A_274, %lt3A_277 : i32
      %lt3A_279 = arith.constant 0 : i32
      %lt3A_280 = arith.cmpi slt, %select_n3A_273, %lt3A_279 : i32
      %ne3A_281 = arith.xori %lt3A_278, %lt3A_280 : i1
      %and3A_282 = arith.andi %ne3A_281, %ne3A_276 : i1
      %add3A_283 = arith.addi %rem3A_274, %select_n3A_273 : i32
      %select_n3A_284 = arith.select %and3A_282, %add3A_283, %rem3A_274 : i32
      %add3A_285 = arith.constant 1 : i32
      %add3A_286 = arith.addi %select_n3A_284, %add3A_285 : i32
      %mul3A_287 = arith.constant 2 : i32
      %mul3A_288 = arith.muli %mul3A_287, %select_n3A_28 : i32
      "tpu.region"() ({
        %run_scoped3A_519 = tpu.sem_alloc : memref<!tpu.dma_semaphore, #tpu.memory_space<semaphore_mem>>
        %dma_start3A = arith.constant 0 : i32
        %dma_start3A_520 = tpu.memref_slice %arg26[%add3A_286, %select_n3A, %mul3A_288, %dma_start3A] : memref<3x2x16x16xf32, #tpu.memory_space<vmem_shared>> -> memref<1x1x2x16xf32, #tpu.memory_space<vmem_shared>>
        %dma_start3A_521 = tpu.memref_squeeze %dma_start3A_520 : memref<1x1x2x16xf32, #tpu.memory_space<vmem_shared>> -> memref<2x16xf32, #tpu.memory_space<vmem_shared>>
        %dma_start3A_522 = arith.constant 0 : i32
        %dma_start3A_523 = tpu.memref_slice %arg26[%add3A_286, %select_n3A, %mul3A_288, %dma_start3A_522] : memref<3x2x16x16xf32, #tpu.memory_space<vmem_shared>> -> memref<1x1x2x16xf32, #tpu.memory_space<vmem_shared>>
        %dma_start3A_524 = tpu.memref_squeeze %dma_start3A_523 : memref<1x1x2x16xf32, #tpu.memory_space<vmem_shared>> -> memref<2x16xf32, #tpu.memory_space<vmem_shared>>
        tpu.enqueue_dma source(%arg23 : memref<2x16xf32, #tpu.memory_space<vmem>>) target(%dma_start3A_524 : memref<2x16xf32, #tpu.memory_space<vmem_shared>>) target_semaphore(%run_scoped3A_519 : memref<!tpu.dma_semaphore, #tpu.memory_space<semaphore_mem>>)
        %dma_wait3A = arith.constant 0 : i32
        %dma_wait3A_525 = tpu.memref_slice %arg26[%add3A_286, %select_n3A, %mul3A_288, %dma_wait3A] : memref<3x2x16x16xf32, #tpu.memory_space<vmem_shared>> -> memref<1x1x2x16xf32, #tpu.memory_space<vmem_shared>>
        %dma_wait3A_526 = tpu.memref_squeeze %dma_wait3A_525 : memref<1x1x2x16xf32, #tpu.memory_space<vmem_shared>> -> memref<2x16xf32, #tpu.memory_space<vmem_shared>>
        %dma_wait3A_527 = arith.constant 0 : i32
        %dma_wait3A_528 = tpu.memref_slice %arg26[%add3A_286, %select_n3A, %mul3A_288, %dma_wait3A_527] : memref<3x2x16x16xf32, #tpu.memory_space<vmem_shared>> -> memref<1x1x2x16xf32, #tpu.memory_space<vmem_shared>>
        %dma_wait3A_529 = tpu.memref_squeeze %dma_wait3A_528 : memref<1x1x2x16xf32, #tpu.memory_space<vmem_shared>> -> memref<2x16xf32, #tpu.memory_space<vmem_shared>>
        tpu.wait_dma2 semaphore(%run_scoped3A_519 : memref<!tpu.dma_semaphore, #tpu.memory_space<semaphore_mem>>) src(%arg23 : memref<2x16xf32, #tpu.memory_space<vmem>>) dst(%dma_wait3A_529 : memref<2x16xf32, #tpu.memory_space<vmem_shared>>)
        tpu.yield
      }) : () -> ()
      %barrier3A_289 = arith.constant 0 : index
      tpu.barrier barrier_id(%barrier3A_289)
      "tpu.region"() ({
        %run_scoped3A_519 = tpu.sem_alloc : memref<!tpu.dma_semaphore, #tpu.memory_space<semaphore_mem>>
        %dma_start3A = arith.constant 0 : i32
        %dma_start3A_520 = arith.constant 0 : i32
        %dma_start3A_521 = arith.constant 0 : i32
        %dma_start3A_522 = tpu.memref_slice %arg26[%add3A_286, %dma_start3A, %dma_start3A_520, %dma_start3A_521] : memref<3x2x16x16xf32, #tpu.memory_space<vmem_shared>> -> memref<1x2x16x16xf32, #tpu.memory_space<vmem_shared>>
        %dma_start3A_523 = tpu.memref_squeeze %dma_start3A_522 : memref<1x2x16x16xf32, #tpu.memory_space<vmem_shared>> -> memref<2x16x16xf32, #tpu.memory_space<vmem_shared>>
        %dma_start3A_524 = arith.constant 0 : i32
        %dma_start3A_525 = arith.constant 0 : i32
        %dma_start3A_526 = arith.constant 0 : i32
        %dma_start3A_527 = tpu.memref_slice %arg26[%add3A_286, %dma_start3A_524, %dma_start3A_525, %dma_start3A_526] : memref<3x2x16x16xf32, #tpu.memory_space<vmem_shared>> -> memref<1x2x16x16xf32, #tpu.memory_space<vmem_shared>>
        %dma_start3A_528 = tpu.memref_squeeze %dma_start3A_527 : memref<1x2x16x16xf32, #tpu.memory_space<vmem_shared>> -> memref<2x16x16xf32, #tpu.memory_space<vmem_shared>>
        tpu.enqueue_dma source(%dma_start3A_528 : memref<2x16x16xf32, #tpu.memory_space<vmem_shared>>) target(%arg24 : memref<2x16x16xf32, #tpu.memory_space<vmem>>) target_semaphore(%run_scoped3A_519 : memref<!tpu.dma_semaphore, #tpu.memory_space<semaphore_mem>>)
        %dma_wait3A = arith.constant 0 : i32
        %dma_wait3A_529 = arith.constant 0 : i32
        %dma_wait3A_530 = arith.constant 0 : i32
        %dma_wait3A_531 = tpu.memref_slice %arg26[%add3A_286, %dma_wait3A, %dma_wait3A_529, %dma_wait3A_530] : memref<3x2x16x16xf32, #tpu.memory_space<vmem_shared>> -> memref<1x2x16x16xf32, #tpu.memory_space<vmem_shared>>
        %dma_wait3A_532 = tpu.memref_squeeze %dma_wait3A_531 : memref<1x2x16x16xf32, #tpu.memory_space<vmem_shared>> -> memref<2x16x16xf32, #tpu.memory_space<vmem_shared>>
        %dma_wait3A_533 = arith.constant 0 : i32
        %dma_wait3A_534 = arith.constant 0 : i32
        %dma_wait3A_535 = arith.constant 0 : i32
        %dma_wait3A_536 = tpu.memref_slice %arg26[%add3A_286, %dma_wait3A_533, %dma_wait3A_534, %dma_wait3A_535] : memref<3x2x16x16xf32, #tpu.memory_space<vmem_shared>> -> memref<1x2x16x16xf32, #tpu.memory_space<vmem_shared>>
        %dma_wait3A_537 = tpu.memref_squeeze %dma_wait3A_536 : memref<1x2x16x16xf32, #tpu.memory_space<vmem_shared>> -> memref<2x16x16xf32, #tpu.memory_space<vmem_shared>>
        tpu.wait_dma2 semaphore(%run_scoped3A_519 : memref<!tpu.dma_semaphore, #tpu.memory_space<semaphore_mem>>) src(%dma_wait3A_537 : memref<2x16x16xf32, #tpu.memory_space<vmem_shared>>) dst(%arg24 : memref<2x16x16xf32, #tpu.memory_space<vmem>>)
        tpu.yield
      }) : () -> ()
      %broadcast_in_dim3A_290 = vector.broadcast %select_n3A : i32 to vector<16xi32>
      %sub3A_291 = arith.constant 1 : i32
      %sub3A_292 = arith.subi %sub3A_291, %select_n3A : i32
      %broadcast_in_dim3A_293 = vector.broadcast %sub3A_292 : i32 to vector<16xi32>
      %gather3A_294 = tpu.vector_load_idx %arg24[%broadcast_in_dim3A_290, %iota3A, %broadcast_in_dim3A_37] : memref<2x16x16xf32, #tpu.memory_space<vmem>>[vector<16xi32>, vector<16xi32>, vector<16xi32>], vector<16xf32>,
      %add3A_295 = arith.constant 1 : i32
      %add3A_296 = vector.broadcast %add3A_295 : i32 to vector<16xi32>
      %add3A_297 = arith.addi %broadcast_in_dim3A_37, %add3A_296 : vector<16xi32>
      %gather3A_298 = tpu.vector_load_idx %arg24[%broadcast_in_dim3A_290, %iota3A, %add3A_297] : memref<2x16x16xf32, #tpu.memory_space<vmem>>[vector<16xi32>, vector<16xi32>, vector<16xi32>], vector<16xf32>,
      %add3A_299 = arith.constant 12 : i32
      %add3A_300 = vector.broadcast %add3A_299 : i32 to vector<16xi32>
      %add3A_301 = arith.addi %broadcast_in_dim3A_37, %add3A_300 : vector<16xi32>
      %gather3A_302 = tpu.vector_load_idx %arg24[%broadcast_in_dim3A_293, %broadcast_in_dim3A_37, %add3A_301] : memref<2x16x16xf32, #tpu.memory_space<vmem>>[vector<16xi32>, vector<16xi32>, vector<16xi32>], vector<16xf32>,
      %slice3A_303 = vector.extract_strided_slice %gather3A_302 {offsets = [0], sizes = [1], strides = [1]} : vector<16xf32> to vector<1xf32>
      %squeeze3A_304 = vector.extract %slice3A_303[0] : f32 from vector<1xf32>
      %gt3A_305 = arith.constant 5.000000e-01 : f32
      %gt3A_306 = arith.cmpf ogt, %squeeze3A_304, %gt3A_305 : f32
      %and3A_307 = arith.andi %while3A_80, %gt3A_306 : i1
      %not3A = arith.constant true
      %not3A_308 = arith.xori %and3A_307, %not3A : i1
      %reduce_max3A_309 = arith.constant true
      %reduce_max3A_310 = vector.broadcast %reduce_max3A_309 : i1 to vector<16xi1>
      %reduce_max3A_311 = tpu.scan <max>, %gather3A_294 masked %reduce_max3A_310 : vector<16xf32>, vector<16xi1> -> vector<16xf32>
      %reduce_max3A_312 = vector.extract %reduce_max3A_311[15] : f32 from vector<16xf32>
      %gt3A_313 = arith.cmpf ogt, %reduce_max3A_312, %while3A : f32
      %eq3A_314 = vector.broadcast %reduce_max3A_312 : f32 to vector<16xf32>
      %eq3A_315 = arith.cmpf oeq, %gather3A_294, %eq3A_314 : vector<16xf32>
      %broadcast_in_dim3A_316 = vector.broadcast %while3A_66 : f32 to vector<16xf32>
      %select_n3A_317 = arith.select %eq3A_315, %gather3A_298, %broadcast_in_dim3A_316 : vector<16xi1>, vector<16xf32>
      %reduce_min3A_318 = arith.constant true
      %reduce_min3A_319 = vector.broadcast %reduce_min3A_318 : i1 to vector<16xi1>
      %reduce_min3A_320 = tpu.scan <min>, %select_n3A_317 masked %reduce_min3A_319 : vector<16xf32>, vector<16xi1> -> vector<16xf32>
      %reduce_min3A_321 = vector.extract %reduce_min3A_320[15] : f32 from vector<16xf32>
      %eq3A_322 = vector.broadcast %reduce_max3A_312 : f32 to vector<16xf32>
      %eq3A_323 = arith.cmpf oeq, %gather3A_294, %eq3A_322 : vector<16xf32>
      %eq3A_324 = vector.broadcast %reduce_min3A_321 : f32 to vector<16xf32>
      %eq3A_325 = arith.cmpf oeq, %gather3A_298, %eq3A_324 : vector<16xf32>
      %and3A_326 = arith.andi %eq3A_323, %eq3A_325 : vector<16xi1>
      %jit3A_327 = arith.constant 16 : i32
      %broadcast_in_dim3A_328 = vector.broadcast %jit3A_327 : i32 to vector<16xi32>
      %select_n3A_329 = arith.select %and3A_326, %iota3A, %broadcast_in_dim3A_328 : vector<16xi1>, vector<16xi32>
      %reduce_min3A_330 = arith.constant true
      %reduce_min3A_331 = vector.broadcast %reduce_min3A_330 : i1 to vector<16xi1>
      %reduce_min3A_332 = arith.constant -2147483648 : i32
      %reduce_min3A_333 = vector.broadcast %reduce_min3A_332 : i32 to vector<16xi32>
      %reduce_min3A_334 = arith.xori %select_n3A_329, %reduce_min3A_333 : vector<16xi32>
      %reduce_min3A_335 = tpu.scan <min>, %reduce_min3A_334 masked %reduce_min3A_331 : vector<16xi32>, vector<16xi1> -> vector<16xi32>
      %reduce_min3A_336 = arith.xori %reduce_min3A_335, %reduce_min3A_333 : vector<16xi32>
      %reduce_min3A_337 = vector.extract %reduce_min3A_336[15] : i32 from vector<16xi32>
      %broadcast_in_dim3A_338 = vector.broadcast %reduce_min3A_337 : i32 to vector<16xi32>
      %eq3A_339 = vector.broadcast %reduce_min3A_337 : i32 to vector<16xi32>
      %eq3A_340 = arith.cmpi eq, %iota3A, %eq3A_339 : vector<16xi32>
      %broadcast_in_dim3A_341 = vector.broadcast %while3A : f32 to vector<16xf32>
      %select_n3A_342 = arith.select %eq3A_340, %broadcast_in_dim3A_341, %gather3A_294 : vector<16xi1>, vector<16xf32>
      %reduce_max3A_343 = arith.constant true
      %reduce_max3A_344 = vector.broadcast %reduce_max3A_343 : i1 to vector<16xi1>
      %reduce_max3A_345 = tpu.scan <max>, %select_n3A_342 masked %reduce_max3A_344 : vector<16xf32>, vector<16xi1> -> vector<16xf32>
      %reduce_max3A_346 = vector.extract %reduce_max3A_345[15] : f32 from vector<16xf32>
      %eq3A_347 = vector.broadcast %reduce_max3A_346 : f32 to vector<16xf32>
      %eq3A_348 = arith.cmpf oeq, %select_n3A_342, %eq3A_347 : vector<16xf32>
      %broadcast_in_dim3A_349 = vector.broadcast %while3A_66 : f32 to vector<16xf32>
      %select_n3A_350 = arith.select %eq3A_348, %gather3A_298, %broadcast_in_dim3A_349 : vector<16xi1>, vector<16xf32>
      %reduce_min3A_351 = arith.constant true
      %reduce_min3A_352 = vector.broadcast %reduce_min3A_351 : i1 to vector<16xi1>
      %reduce_min3A_353 = tpu.scan <min>, %select_n3A_350 masked %reduce_min3A_352 : vector<16xf32>, vector<16xi1> -> vector<16xf32>
      %reduce_min3A_354 = vector.extract %reduce_min3A_353[15] : f32 from vector<16xf32>
      %eq3A_355 = vector.broadcast %reduce_max3A_346 : f32 to vector<16xf32>
      %eq3A_356 = arith.cmpf oeq, %select_n3A_342, %eq3A_355 : vector<16xf32>
      %eq3A_357 = vector.broadcast %reduce_min3A_354 : f32 to vector<16xf32>
      %eq3A_358 = arith.cmpf oeq, %gather3A_298, %eq3A_357 : vector<16xf32>
      %and3A_359 = arith.andi %eq3A_356, %eq3A_358 : vector<16xi1>
      %jit3A_360 = arith.constant 16 : i32
      %broadcast_in_dim3A_361 = vector.broadcast %jit3A_360 : i32 to vector<16xi32>
      %select_n3A_362 = arith.select %and3A_359, %iota3A, %broadcast_in_dim3A_361 : vector<16xi1>, vector<16xi32>
      %reduce_min3A_363 = arith.constant true
      %reduce_min3A_364 = vector.broadcast %reduce_min3A_363 : i1 to vector<16xi1>
      %reduce_min3A_365 = arith.constant -2147483648 : i32
      %reduce_min3A_366 = vector.broadcast %reduce_min3A_365 : i32 to vector<16xi32>
      %reduce_min3A_367 = arith.xori %select_n3A_362, %reduce_min3A_366 : vector<16xi32>
      %reduce_min3A_368 = tpu.scan <min>, %reduce_min3A_367 masked %reduce_min3A_364 : vector<16xi32>, vector<16xi1> -> vector<16xi32>
      %reduce_min3A_369 = arith.xori %reduce_min3A_368, %reduce_min3A_366 : vector<16xi32>
      %reduce_min3A_370 = vector.extract %reduce_min3A_369[15] : i32 from vector<16xi32>
      %broadcast_in_dim3A_371 = vector.broadcast %reduce_min3A_370 : i32 to vector<16xi32>
      %add3A_372 = arith.constant 2 : i32
      %add3A_373 = vector.broadcast %add3A_372 : i32 to vector<16xi32>
      %add3A_374 = arith.addi %broadcast_in_dim3A_37, %add3A_373 : vector<16xi32>
      %gather3A_375 = tpu.vector_load_idx %arg24[%broadcast_in_dim3A_290, %broadcast_in_dim3A_338, %add3A_374] : memref<2x16x16xf32, #tpu.memory_space<vmem>>[vector<16xi32>, vector<16xi32>, vector<16xi32>], vector<16xf32>,
      %select_n3A_376 = arith.select %gt3A_313, %gather3A_375, %broadcast_in_dim3A_35 : vector<16xf32>
      %add3A_377 = arith.constant 3 : i32
      %add3A_378 = vector.broadcast %add3A_377 : i32 to vector<16xi32>
      %add3A_379 = arith.addi %broadcast_in_dim3A_37, %add3A_378 : vector<16xi32>
      %gather3A_380 = tpu.vector_load_idx %arg24[%broadcast_in_dim3A_290, %broadcast_in_dim3A_338, %add3A_379] : memref<2x16x16xf32, #tpu.memory_space<vmem>>[vector<16xi32>, vector<16xi32>, vector<16xi32>], vector<16xf32>,
      %select_n3A_381 = arith.select %gt3A_313, %gather3A_380, %broadcast_in_dim3A_35 : vector<16xf32>
      %add3A_382 = arith.constant 4 : i32
      %add3A_383 = vector.broadcast %add3A_382 : i32 to vector<16xi32>
      %add3A_384 = arith.addi %broadcast_in_dim3A_37, %add3A_383 : vector<16xi32>
      %gather3A_385 = tpu.vector_load_idx %arg24[%broadcast_in_dim3A_290, %broadcast_in_dim3A_338, %add3A_384] : memref<2x16x16xf32, #tpu.memory_space<vmem>>[vector<16xi32>, vector<16xi32>, vector<16xi32>], vector<16xf32>,
      %select_n3A_386 = arith.select %gt3A_313, %gather3A_385, %broadcast_in_dim3A_33 : vector<16xf32>
      %add3A_387 = arith.constant 5 : i32
      %add3A_388 = vector.broadcast %add3A_387 : i32 to vector<16xi32>
      %add3A_389 = arith.addi %broadcast_in_dim3A_37, %add3A_388 : vector<16xi32>
      %gather3A_390 = tpu.vector_load_idx %arg24[%broadcast_in_dim3A_290, %broadcast_in_dim3A_338, %add3A_389] : memref<2x16x16xf32, #tpu.memory_space<vmem>>[vector<16xi32>, vector<16xi32>, vector<16xi32>], vector<16xf32>,
      %select_n3A_391 = arith.select %gt3A_313, %gather3A_390, %broadcast_in_dim3A_33 : vector<16xf32>
      %sub3A_392 = arith.subf %select_n3A_386, %select_n3A_376 : vector<16xf32>
      %sub3A_393 = arith.subf %select_n3A_391, %select_n3A_381 : vector<16xf32>
      %mul3A_394 = arith.mulf %sub3A_392, %sub3A_393 : vector<16xf32>
      %convert_element_type3A_395 = arith.fptosi %reduce_min3A_321 : f32 to i32
      %jit3A_396 = arith.constant -1 : i32
      %select_n3A_397 = arith.select %gt3A_313, %convert_element_type3A_395, %jit3A_396 : i32
      %add3A_398 = arith.constant 2 : i32
      %add3A_399 = vector.broadcast %add3A_398 : i32 to vector<16xi32>
      %add3A_400 = arith.addi %broadcast_in_dim3A_37, %add3A_399 : vector<16xi32>
      %gather3A_401 = tpu.vector_load_idx %arg24[%broadcast_in_dim3A_290, %broadcast_in_dim3A_371, %add3A_400] : memref<2x16x16xf32, #tpu.memory_space<vmem>>[vector<16xi32>, vector<16xi32>, vector<16xi32>], vector<16xf32>,
      %add3A_402 = arith.constant 3 : i32
      %add3A_403 = vector.broadcast %add3A_402 : i32 to vector<16xi32>
      %add3A_404 = arith.addi %broadcast_in_dim3A_37, %add3A_403 : vector<16xi32>
      %gather3A_405 = tpu.vector_load_idx %arg24[%broadcast_in_dim3A_290, %broadcast_in_dim3A_371, %add3A_404] : memref<2x16x16xf32, #tpu.memory_space<vmem>>[vector<16xi32>, vector<16xi32>, vector<16xi32>], vector<16xf32>,
      %add3A_406 = arith.constant 4 : i32
      %add3A_407 = vector.broadcast %add3A_406 : i32 to vector<16xi32>
      %add3A_408 = arith.addi %broadcast_in_dim3A_37, %add3A_407 : vector<16xi32>
      %gather3A_409 = tpu.vector_load_idx %arg24[%broadcast_in_dim3A_290, %broadcast_in_dim3A_371, %add3A_408] : memref<2x16x16xf32, #tpu.memory_space<vmem>>[vector<16xi32>, vector<16xi32>, vector<16xi32>], vector<16xf32>,
      %add3A_410 = arith.constant 5 : i32
      %add3A_411 = vector.broadcast %add3A_410 : i32 to vector<16xi32>
      %add3A_412 = arith.addi %broadcast_in_dim3A_37, %add3A_411 : vector<16xi32>
      %gather3A_413 = tpu.vector_load_idx %arg24[%broadcast_in_dim3A_290, %broadcast_in_dim3A_371, %add3A_412] : memref<2x16x16xf32, #tpu.memory_space<vmem>>[vector<16xi32>, vector<16xi32>, vector<16xi32>], vector<16xf32>,
      %sub3A_414 = arith.subf %gather3A_409, %gather3A_401 : vector<16xf32>
      %sub3A_415 = arith.subf %gather3A_413, %gather3A_405 : vector<16xf32>
      %mul3A_416 = arith.mulf %sub3A_414, %sub3A_415 : vector<16xf32>
      %max3A = arith.maximumf %select_n3A_376, %gather3A_401 : vector<16xf32>
      %max3A_417 = arith.maximumf %select_n3A_381, %gather3A_405 : vector<16xf32>
      %min3A = arith.minimumf %select_n3A_386, %gather3A_409 : vector<16xf32>
      %min3A_418 = arith.minimumf %select_n3A_391, %gather3A_413 : vector<16xf32>
      %sub3A_419 = arith.subf %min3A, %max3A : vector<16xf32>
      %max3A_420 = arith.constant 0.000000e+00 : f32
      %max3A_421 = vector.broadcast %max3A_420 : f32 to vector<16xf32>
      %max3A_422 = arith.maximumf %sub3A_419, %max3A_421 : vector<16xf32>
      %sub3A_423 = arith.subf %min3A_418, %max3A_417 : vector<16xf32>
      %max3A_424 = arith.constant 0.000000e+00 : f32
      %max3A_425 = vector.broadcast %max3A_424 : f32 to vector<16xf32>
      %max3A_426 = arith.maximumf %sub3A_423, %max3A_425 : vector<16xf32>
      %mul3A_427 = arith.mulf %max3A_422, %max3A_426 : vector<16xf32>
      %add3A_428 = arith.addf %mul3A_394, %mul3A_416 : vector<16xf32>
      %sub3A_429 = arith.subf %add3A_428, %mul3A_427 : vector<16xf32>
      %add3A_430 = arith.constant 9.99999971E-10 : f32
      %add3A_431 = vector.broadcast %add3A_430 : f32 to vector<16xf32>
      %add3A_432 = arith.addf %sub3A_429, %add3A_431 : vector<16xf32>
      %div3A_433 = arith.divf %mul3A_427, %add3A_432 : vector<16xf32>
      %gt3A_434 = arith.cmpf ogt, %reduce_max3A_346, %while3A : f32
      %and3A_435 = arith.andi %gt3A_313, %gt3A_434 : i1
      %slice3A_436 = vector.extract_strided_slice %div3A_433 {offsets = [0], sizes = [1], strides = [1]} : vector<16xf32> to vector<1xf32>
      %squeeze3A_437 = vector.extract %slice3A_436[0] : f32 from vector<1xf32>
      %gt3A_438 = arith.cmpf ogt, %squeeze3A_437, %squeeze3A_40 : f32
      %not3A_439 = arith.constant true
      %not3A_440 = arith.xori %gt3A_438, %not3A_439 : i1
      %and3A_441 = arith.andi %and3A_435, %not3A_440 : i1
      %select_n3A_442 = arith.select %and3A_441, %gather3A_401, %broadcast_in_dim3A_35 : vector<16xf32>
      %select_n3A_443 = arith.select %and3A_441, %gather3A_405, %broadcast_in_dim3A_35 : vector<16xf32>
      %select_n3A_444 = arith.select %and3A_441, %gather3A_409, %broadcast_in_dim3A_33 : vector<16xf32>
      %select_n3A_445 = arith.select %and3A_441, %gather3A_413, %broadcast_in_dim3A_33 : vector<16xf32>
      %sub3A_446 = arith.subf %select_n3A_444, %select_n3A_442 : vector<16xf32>
      %sub3A_447 = arith.subf %select_n3A_445, %select_n3A_443 : vector<16xf32>
      %mul3A_448 = arith.mulf %sub3A_446, %sub3A_447 : vector<16xf32>
      %convert_element_type3A_449 = arith.fptosi %reduce_min3A_354 : f32 to i32
      %jit3A_450 = arith.constant -1 : i32
      %select_n3A_451 = arith.select %and3A_441, %convert_element_type3A_449, %jit3A_450 : i32
      %sub3A_452 = arith.subi %select_n3A_397, %mul3A_32 : i32
      %ge3A = arith.constant 0 : i32
      %ge3A_453 = arith.cmpi sge, %sub3A_452, %ge3A : i32
      %lt3A_454 = arith.constant 640 : i32
      %lt3A_455 = arith.cmpi slt, %sub3A_452, %lt3A_454 : i32
      %and3A_456 = arith.andi %ge3A_453, %lt3A_455 : i1
      %jit3A_457 = arith.constant 0 : i32
      %jit3A_458 = arith.constant 639 : i32
      %max3A_459 = arith.maxsi %jit3A_457, %sub3A_452 : i32
      %min3A_460 = arith.minsi %jit3A_458, %max3A_459 : i32
      %broadcast_in_dim3A_461 = vector.broadcast %min3A_460 : i32 to vector<16xi32>
      %eq3A_462 = arith.constant 0 : i32
      %eq3A_463 = vector.broadcast %eq3A_462 : i32 to vector<16xi32>
      %eq3A_464 = arith.cmpi eq, %iota3A, %eq3A_463 : vector<16xi32>
      %and3A_465 = vector.broadcast %and3A_456 : i1 to vector<16xi1>
      %and3A_466 = arith.andi %eq3A_464, %and3A_465 : vector<16xi1>
      tpu.vector_store_idx %arg20[%broadcast_in_dim3A_461], %broadcast_in_dim3A_33 masked %and3A_466 : memref<640xf32, #tpu.memory_space<vmem>>[vector<16xi32>], vector<16xf32>, vector<16xi1>
      %sub3A_467 = arith.subi %select_n3A_451, %mul3A_32 : i32
      %ge3A_468 = arith.constant 0 : i32
      %ge3A_469 = arith.cmpi sge, %sub3A_467, %ge3A_468 : i32
      %lt3A_470 = arith.constant 640 : i32
      %lt3A_471 = arith.cmpi slt, %sub3A_467, %lt3A_470 : i32
      %and3A_472 = arith.andi %ge3A_469, %lt3A_471 : i1
      %jit3A_473 = arith.constant 0 : i32
      %jit3A_474 = arith.constant 639 : i32
      %max3A_475 = arith.maxsi %jit3A_473, %sub3A_467 : i32
      %min3A_476 = arith.minsi %jit3A_474, %max3A_475 : i32
      %broadcast_in_dim3A_477 = vector.broadcast %min3A_476 : i32 to vector<16xi32>
      %eq3A_478 = arith.constant 0 : i32
      %eq3A_479 = vector.broadcast %eq3A_478 : i32 to vector<16xi32>
      %eq3A_480 = arith.cmpi eq, %iota3A, %eq3A_479 : vector<16xi32>
      %and3A_481 = vector.broadcast %and3A_472 : i1 to vector<16xi1>
      %and3A_482 = arith.andi %eq3A_480, %and3A_481 : vector<16xi1>
      tpu.vector_store_idx %arg20[%broadcast_in_dim3A_477], %broadcast_in_dim3A_33 masked %and3A_482 : memref<640xf32, #tpu.memory_space<vmem>>[vector<16xi32>], vector<16xf32>, vector<16xi1>
      %parallel_loop3A = arith.constant 0 : i32
      %parallel_loop3A_483 = arith.constant 40 : i32
      %parallel_loop3A_484 = arith.constant 1 : i32
      %parallel_loop3A_485:4 = scf.for %parallel_loop3A_519 = %parallel_loop3A to %parallel_loop3A_483 step %parallel_loop3A_484 iter_args(%parallel_loop3A_520 = %broadcast_in_dim3A_33, %parallel_loop3A_521 = %broadcast_in_dim3A_37, %parallel_loop3A_522 = %broadcast_in_dim3A_33, %parallel_loop3A_523 = %broadcast_in_dim3A_37) -> (vector<16xf32>, vector<16xi32>, vector<16xf32>, vector<16xi32>)  : i32 {
        %parallel_loop3A_524 = arith.constant 16 : i32
        %parallel_loop3A_525 = arith.muli %parallel_loop3A_519, %parallel_loop3A_524 : i32
        %parallel_loop3A_526 = arith.index_cast %parallel_loop3A_525 : i32 to index
        %parallel_loop3A_527 = tpu.vector_load %arg20[%parallel_loop3A_526] {strides = array<i32>} : memref<640xf32, #tpu.memory_space<vmem>>, vector<16xf32>,
        %parallel_loop3A_528 = arith.index_cast %parallel_loop3A_525 : i32 to index
        %parallel_loop3A_529 = tpu.vector_load %arg11[%parallel_loop3A_528] {strides = array<i32>} : memref<640xf32, #tpu.memory_space<vmem>>, vector<16xf32>,
        %parallel_loop3A_530 = arith.index_cast %parallel_loop3A_525 : i32 to index
        %parallel_loop3A_531 = tpu.vector_load %arg12[%parallel_loop3A_530] {strides = array<i32>} : memref<640xf32, #tpu.memory_space<vmem>>, vector<16xf32>,
        %parallel_loop3A_532 = arith.index_cast %parallel_loop3A_525 : i32 to index
        %parallel_loop3A_533 = tpu.vector_load %arg13[%parallel_loop3A_532] {strides = array<i32>} : memref<640xf32, #tpu.memory_space<vmem>>, vector<16xf32>,
        %parallel_loop3A_534 = arith.index_cast %parallel_loop3A_525 : i32 to index
        %parallel_loop3A_535 = tpu.vector_load %arg14[%parallel_loop3A_534] {strides = array<i32>} : memref<640xf32, #tpu.memory_space<vmem>>, vector<16xf32>,
        %parallel_loop3A_536 = arith.index_cast %parallel_loop3A_525 : i32 to index
        %parallel_loop3A_537 = tpu.vector_load %arg19[%parallel_loop3A_536] {strides = array<i32>} : memref<640xf32, #tpu.memory_space<vmem>>, vector<16xf32>,
        %parallel_loop3A_538 = arith.maximumf %select_n3A_376, %parallel_loop3A_529 : vector<16xf32>
        %parallel_loop3A_539 = arith.maximumf %select_n3A_381, %parallel_loop3A_531 : vector<16xf32>
        %parallel_loop3A_540 = arith.minimumf %select_n3A_386, %parallel_loop3A_533 : vector<16xf32>
        %parallel_loop3A_541 = arith.minimumf %select_n3A_391, %parallel_loop3A_535 : vector<16xf32>
        %parallel_loop3A_542 = arith.subf %parallel_loop3A_540, %parallel_loop3A_538 : vector<16xf32>
        %parallel_loop3A_543 = arith.constant 0.000000e+00 : f32
        %parallel_loop3A_544 = vector.broadcast %parallel_loop3A_543 : f32 to vector<16xf32>
        %parallel_loop3A_545 = arith.maximumf %parallel_loop3A_542, %parallel_loop3A_544 : vector<16xf32>
        %parallel_loop3A_546 = arith.subf %parallel_loop3A_541, %parallel_loop3A_539 : vector<16xf32>
        %parallel_loop3A_547 = arith.constant 0.000000e+00 : f32
        %parallel_loop3A_548 = vector.broadcast %parallel_loop3A_547 : f32 to vector<16xf32>
        %parallel_loop3A_549 = arith.maximumf %parallel_loop3A_546, %parallel_loop3A_548 : vector<16xf32>
        %parallel_loop3A_550 = arith.mulf %parallel_loop3A_545, %parallel_loop3A_549 : vector<16xf32>
        %parallel_loop3A_551 = arith.addf %mul3A_394, %parallel_loop3A_537 : vector<16xf32>
        %parallel_loop3A_552 = arith.subf %parallel_loop3A_551, %parallel_loop3A_550 : vector<16xf32>
        %parallel_loop3A_553 = arith.constant 9.99999971E-10 : f32
        %parallel_loop3A_554 = vector.broadcast %parallel_loop3A_553 : f32 to vector<16xf32>
        %parallel_loop3A_555 = arith.addf %parallel_loop3A_552, %parallel_loop3A_554 : vector<16xf32>
        %parallel_loop3A_556 = arith.divf %parallel_loop3A_550, %parallel_loop3A_555 : vector<16xf32>
        %parallel_loop3A_557 = arith.maximumf %select_n3A_442, %parallel_loop3A_529 : vector<16xf32>
        %parallel_loop3A_558 = arith.maximumf %select_n3A_443, %parallel_loop3A_531 : vector<16xf32>
        %parallel_loop3A_559 = arith.minimumf %select_n3A_444, %parallel_loop3A_533 : vector<16xf32>
        %parallel_loop3A_560 = arith.minimumf %select_n3A_445, %parallel_loop3A_535 : vector<16xf32>
        %parallel_loop3A_561 = arith.subf %parallel_loop3A_559, %parallel_loop3A_557 : vector<16xf32>
        %parallel_loop3A_562 = arith.constant 0.000000e+00 : f32
        %parallel_loop3A_563 = vector.broadcast %parallel_loop3A_562 : f32 to vector<16xf32>
        %parallel_loop3A_564 = arith.maximumf %parallel_loop3A_561, %parallel_loop3A_563 : vector<16xf32>
        %parallel_loop3A_565 = arith.subf %parallel_loop3A_560, %parallel_loop3A_558 : vector<16xf32>
        %parallel_loop3A_566 = arith.constant 0.000000e+00 : f32
        %parallel_loop3A_567 = vector.broadcast %parallel_loop3A_566 : f32 to vector<16xf32>
        %parallel_loop3A_568 = arith.maximumf %parallel_loop3A_565, %parallel_loop3A_567 : vector<16xf32>
        %parallel_loop3A_569 = arith.mulf %parallel_loop3A_564, %parallel_loop3A_568 : vector<16xf32>
        %parallel_loop3A_570 = arith.addf %mul3A_448, %parallel_loop3A_537 : vector<16xf32>
        %parallel_loop3A_571 = arith.subf %parallel_loop3A_570, %parallel_loop3A_569 : vector<16xf32>
        %parallel_loop3A_572 = arith.constant 9.99999971E-10 : f32
        %parallel_loop3A_573 = vector.broadcast %parallel_loop3A_572 : f32 to vector<16xf32>
        %parallel_loop3A_574 = arith.addf %parallel_loop3A_571, %parallel_loop3A_573 : vector<16xf32>
        %parallel_loop3A_575 = arith.divf %parallel_loop3A_569, %parallel_loop3A_574 : vector<16xf32>
        %parallel_loop3A_576 = arith.constant 16 : i32
        %parallel_loop3A_577 = arith.muli %parallel_loop3A_519, %parallel_loop3A_576 : i32
        %parallel_loop3A_578 = vector.broadcast %parallel_loop3A_577 : i32 to vector<16xi32>
        %parallel_loop3A_579 = arith.addi %iota3A, %parallel_loop3A_578 : vector<16xi32>
        %parallel_loop3A_580 = vector.broadcast %squeeze3A_40 : f32 to vector<16xf32>
        %parallel_loop3A_581 = arith.cmpf ogt, %parallel_loop3A_556, %parallel_loop3A_580 : vector<16xf32>
        %parallel_loop3A_582 = vector.broadcast %squeeze3A_40 : f32 to vector<16xf32>
        %parallel_loop3A_583 = arith.cmpf ogt, %parallel_loop3A_575, %parallel_loop3A_582 : vector<16xf32>
        %parallel_loop3A_584 = arith.ori %parallel_loop3A_581, %parallel_loop3A_583 : vector<16xi1>
        %parallel_loop3A_585 = vector.broadcast %while3A : f32 to vector<16xf32>
        %parallel_loop3A_586 = arith.select %parallel_loop3A_584, %parallel_loop3A_585, %parallel_loop3A_527 : vector<16xi1>, vector<16xf32>
        %parallel_loop3A_587 = arith.index_cast %parallel_loop3A_525 : i32 to index
        %parallel_loop3A_588 = tpu.vector_load %arg20[%parallel_loop3A_587] {strides = array<i32>} : memref<640xf32, #tpu.memory_space<vmem>>, vector<16xf32>,
        tpu.vector_store %arg20[%parallel_loop3A_587], %parallel_loop3A_586 {strides = array<i32>} : memref<640xf32, #tpu.memory_space<vmem>>, vector<16xf32>,
        %parallel_loop3A_589 = arith.cmpf ogt, %parallel_loop3A_586, %parallel_loop3A_520 : vector<16xf32>
        %parallel_loop3A_590 = arith.select %parallel_loop3A_589, %parallel_loop3A_520, %parallel_loop3A_586 : vector<16xi1>, vector<16xf32>
        %parallel_loop3A_591 = arith.select %parallel_loop3A_589, %parallel_loop3A_521, %parallel_loop3A_579 : vector<16xi1>, vector<16xi32>
        %parallel_loop3A_592 = arith.cmpf ogt, %parallel_loop3A_590, %parallel_loop3A_522 : vector<16xf32>
        %parallel_loop3A_593 = arith.select %parallel_loop3A_589, %parallel_loop3A_586, %parallel_loop3A_520 : vector<16xi1>, vector<16xf32>
        %parallel_loop3A_594 = arith.select %parallel_loop3A_589, %parallel_loop3A_579, %parallel_loop3A_521 : vector<16xi1>, vector<16xi32>
        %parallel_loop3A_595 = arith.select %parallel_loop3A_592, %parallel_loop3A_590, %parallel_loop3A_522 : vector<16xi1>, vector<16xf32>
        %parallel_loop3A_596 = arith.select %parallel_loop3A_592, %parallel_loop3A_591, %parallel_loop3A_523 : vector<16xi1>, vector<16xi32>
        scf.yield %parallel_loop3A_593, %parallel_loop3A_594, %parallel_loop3A_595, %parallel_loop3A_596 : vector<16xf32>, vector<16xi32>, vector<16xf32>, vector<16xi32>
      } {sc.loop_unroll_factor = 8 : i64, sc.parallel_access}
      %eq3A_486 = arith.constant 0 : i32
      %eq3A_487 = arith.cmpi eq, %select_n3A_28, %eq3A_486 : i32
      %and3A_488 = arith.andi %gt3A_313, %eq3A_487 : i1
      %lt3A_489 = arith.constant 300 : i32
      %lt3A_490 = arith.cmpi slt, %while3A_79, %lt3A_489 : i32
      %and3A_491 = arith.andi %and3A_488, %lt3A_490 : i1
      %convert_element_type3A_492 = arith.extui %and3A_491 : i1 to i32
      %cond3A_493 = arith.constant 0 : i32
      %cond3A_494 = arith.cmpi ne, %convert_element_type3A_492, %cond3A_493 : i32
      scf.if %cond3A_494 {
        %gather3A_519 = tpu.vector_load_idx %arg24[%broadcast_in_dim3A_290, %broadcast_in_dim3A_338, %iota3A] : memref<2x16x16xf32, #tpu.memory_space<vmem>>[vector<16xi32>, vector<16xi32>, vector<16xi32>], vector<16xf32>,
        %swap3A_520 = arith.index_cast %while3A_79 : i32 to index
        %swap3A_521 = arith.constant 0 : index
        %swap3A_522 = tpu.vector_load %arg25[%swap3A_520, %swap3A_521] {strides = array<i32>} : memref<304x16xf32, #tpu.memory_space<vmem>>, vector<16xf32>,
        tpu.vector_store %arg25[%swap3A_520, %swap3A_521], %gather3A_519 {strides = array<i32>} : memref<304x16xf32, #tpu.memory_space<vmem>>, vector<16xf32>,
      } else {
      }
      %jit3A_495 = arith.constant 1 : i32
      %jit3A_496 = arith.constant 0 : i32
      %select_n3A_497 = arith.select %gt3A_313, %jit3A_495, %jit3A_496 : i32
      %add3A_498 = arith.addi %while3A_79, %select_n3A_497 : i32
      %eq3A_499 = arith.constant 0 : i32
      %eq3A_500 = arith.cmpi eq, %select_n3A_28, %eq3A_499 : i32
      %and3A_501 = arith.andi %and3A_441, %eq3A_500 : i1
      %lt3A_502 = arith.constant 300 : i32
      %lt3A_503 = arith.cmpi slt, %add3A_498, %lt3A_502 : i32
      %and3A_504 = arith.andi %and3A_501, %lt3A_503 : i1
      %convert_element_type3A_505 = arith.extui %and3A_504 : i1 to i32
      %cond3A_506 = arith.constant 0 : i32
      %cond3A_507 = arith.cmpi ne, %convert_element_type3A_505, %cond3A_506 : i32
      scf.if %cond3A_507 {
        %gather3A_519 = tpu.vector_load_idx %arg24[%broadcast_in_dim3A_290, %broadcast_in_dim3A_371, %iota3A] : memref<2x16x16xf32, #tpu.memory_space<vmem>>[vector<16xi32>, vector<16xi32>, vector<16xi32>], vector<16xf32>,
        %swap3A_520 = arith.index_cast %add3A_498 : i32 to index
        %swap3A_521 = arith.constant 0 : index
        %swap3A_522 = tpu.vector_load %arg25[%swap3A_520, %swap3A_521] {strides = array<i32>} : memref<304x16xf32, #tpu.memory_space<vmem>>, vector<16xf32>,
        tpu.vector_store %arg25[%swap3A_520, %swap3A_521], %gather3A_519 {strides = array<i32>} : memref<304x16xf32, #tpu.memory_space<vmem>>, vector<16xf32>,
      } else {
      }
      %jit3A_508 = arith.constant 1 : i32
      %jit3A_509 = arith.constant 0 : i32
      %select_n3A_510 = arith.select %and3A_441, %jit3A_508, %jit3A_509 : i32
      %add3A_511 = arith.addi %add3A_498, %select_n3A_510 : i32
      %ge3A_512 = arith.constant 300 : i32
      %ge3A_513 = arith.cmpi sge, %add3A_511, %ge3A_512 : i32
      %not3A_514 = arith.constant true
      %not3A_515 = arith.xori %gt3A_313, %not3A_514 : i1
      %or3A_516 = arith.ori %ge3A_513, %not3A_515 : i1
      %add3A_517 = arith.constant 1 : i32
      %add3A_518 = arith.addi %while3A_77, %add3A_517 : i32
      scf.yield %add3A_518, %not3A_308, %add3A_511, %or3A_516, %parallel_loop3A_485#0, %parallel_loop3A_485#1, %parallel_loop3A_485#2, %parallel_loop3A_485#3 : i32, i1, i32, i1, vector<16xf32>, vector<16xi32>, vector<16xf32>, vector<16xi32>
    }
    %eq3A_72 = arith.constant 0 : i32
    %eq3A_73 = arith.cmpi eq, %select_n3A_28, %eq3A_72 : i32
    %convert_element_type3A_74 = arith.extui %eq3A_73 : i1 to i32
    %cond3A_75 = arith.constant 0 : i32
    %cond3A_76 = arith.cmpi ne, %convert_element_type3A_74, %cond3A_75 : i32
    scf.if %cond3A_76 {
      "tpu.region"() ({
        %run_scoped3A_77 = tpu.sem_alloc : memref<!tpu.dma_semaphore, #tpu.memory_space<semaphore_mem>>
        %dma_start3A = arith.constant 0 : i32
        %dma_start3A_78 = arith.constant 0 : i32
        %dma_start3A_79 = tpu.memref_slice %arg9[%add3A_30, %dma_start3A, %dma_start3A_78] : memref<4x304x16xf32, #tpu.memory_space<hbm>> -> memref<1x304x16xf32, #tpu.memory_space<hbm>>
        %dma_start3A_80 = tpu.memref_squeeze %dma_start3A_79 : memref<1x304x16xf32, #tpu.memory_space<hbm>> -> memref<304x16xf32, #tpu.memory_space<hbm>>
        %dma_start3A_81 = arith.constant 0 : i32
        %dma_start3A_82 = arith.constant 0 : i32
        %dma_start3A_83 = tpu.memref_slice %arg9[%add3A_30, %dma_start3A_81, %dma_start3A_82] : memref<4x304x16xf32, #tpu.memory_space<hbm>> -> memref<1x304x16xf32, #tpu.memory_space<hbm>>
        %dma_start3A_84 = tpu.memref_squeeze %dma_start3A_83 : memref<1x304x16xf32, #tpu.memory_space<hbm>> -> memref<304x16xf32, #tpu.memory_space<hbm>>
        tpu.enqueue_dma source(%arg25 : memref<304x16xf32, #tpu.memory_space<vmem>>) target(%dma_start3A_84 : memref<304x16xf32, #tpu.memory_space<hbm>>) target_semaphore(%run_scoped3A_77 : memref<!tpu.dma_semaphore, #tpu.memory_space<semaphore_mem>>)
        %dma_wait3A = arith.constant 0 : i32
        %dma_wait3A_85 = arith.constant 0 : i32
        %dma_wait3A_86 = tpu.memref_slice %arg9[%add3A_30, %dma_wait3A, %dma_wait3A_85] : memref<4x304x16xf32, #tpu.memory_space<hbm>> -> memref<1x304x16xf32, #tpu.memory_space<hbm>>
        %dma_wait3A_87 = tpu.memref_squeeze %dma_wait3A_86 : memref<1x304x16xf32, #tpu.memory_space<hbm>> -> memref<304x16xf32, #tpu.memory_space<hbm>>
        %dma_wait3A_88 = arith.constant 0 : i32
        %dma_wait3A_89 = arith.constant 0 : i32
        %dma_wait3A_90 = tpu.memref_slice %arg9[%add3A_30, %dma_wait3A_88, %dma_wait3A_89] : memref<4x304x16xf32, #tpu.memory_space<hbm>> -> memref<1x304x16xf32, #tpu.memory_space<hbm>>
        %dma_wait3A_91 = tpu.memref_squeeze %dma_wait3A_90 : memref<1x304x16xf32, #tpu.memory_space<hbm>> -> memref<304x16xf32, #tpu.memory_space<hbm>>
        tpu.wait_dma2 semaphore(%run_scoped3A_77 : memref<!tpu.dma_semaphore, #tpu.memory_space<semaphore_mem>>) src(%arg25 : memref<304x16xf32, #tpu.memory_space<vmem>>) dst(%dma_wait3A_91 : memref<304x16xf32, #tpu.memory_space<hbm>>)
        tpu.yield
      }) : () -> ()
    } else {
    }
    return
  }
}

</mosaic_0001>

<sc_bundles>
// kernel: kernel.3.cloned.1.call-start
scs
__scs_entry_jumppad:
0x0: {  	(pc) =	sbr.rel $0x88, $3  }
0x1: {  	(tag) =	ssettag $0x0;
	lr =	simm.s32 $0x1  }
0x2: {  	[smem:$0x3F9B] =	sst lr;
	_ =	strace $0xD0000000  }
0x3: {  	_ = 	snop  }
0x4: {  	_ = 	snop  }
0x5: {  	_ = 	snop  }
0x6: {  	_ = 	snop  }
0x7: {  	_ = 	snop  }
__scs_overlays_trampoline_lowered:
0x8: {  	[smem:$0x3FAA] =	sst s0  }
0x9: {  	[smem:$0x3FAB] =	sst s1  }
0xa: {  	[smem:$0x3FAC] =	sst s2  }
0xb: {  	[smem:$0x3FAD] =	sst s3  }
0xc: {  	[smem:$0x3FAE] =	sst s4  }
0xd: {  	[smem:$0x3FAF] =	sst s5  }
0xe: {  	[smem:$0x3FB0] =	sst s6  }
0xf: {  	[smem:$0x3FB1] =	sst s7  }
0x10: {  	[smem:$0x3FB2] =	sst s8  }
0x11: {  	[smem:$0x3FB3] =	sst s9;
	s0 =	simm.s32 @!p0 $0x0  }
0x12: {  	s1 =	sld [smem:$0x3F99];
	s0 =	simm.s32 @p0 $0x1  }
0x13: {  	[smem:$0x3FB4] =	sst s0;
	s0 =	simm.s32 @!p1 $0x0  }
0x14: {  	s2 =	sld [smem:$0x3F98];
	s0 =	simm.s32 @p1 $0x1  }
0x15: {  	[smem:$0x3FB5] =	sst s0;
	s0 =	simm.s32 @!p2 $0x0  }
0x16: {  	s3 =	sld [smem:$0x3FDB];
	s0 =	simm.s32 @p2 $0x1  }
0x17: {  	s4 =	simm.s32 $0x1BF5;
	[smem:$0x3FB7] =	sst s0  }
0x18: {  	s0 =	sld [smem:$0x3F9A];
	_ =	swait.ge [sflag:s4], $0x0  }
0x19: {  	s7 =	sld [smem:$0x3F9B]  }
0x1a: {  	s8 =	sadd.s32 $0xFFFFE003, lr  }
0x1b: {  	s9 =	sadd.s32 $0xFFFFFEF7, lr;
	s5 =	simm.s32 $0xFFFFFFFF;
	p2 =	slt.u32 s8, $0xFFFFF086  }
0x1c: {  	p1 =	slt.u32 s9, $0xF7A;
	s5 =	simm.s32 @!p2 $0x0  }
0x1d: {  	s5 =	simm.s32 @p1 $0x1;
	p0 =	seq.s32 s7, s2  }
0x1e: {  	s7 =	smul.u32 @!p0 $0xF7A, s2;
	p2 =	seq.s32 @!p0 s5, $0x0  }
0x1f: {  	s9 =	smul.u32 $0xF7A, s1;
	s8 =	simm.s32 @!p0 $0x1BF5;
	p2 =	por !p2, p0  }
0x20: {  	[sflag:s8] =	ssyncset.s32 @!p0 $0xFFFFF086;
	s6 =	sadd.s32 @!p0 s3, s7;
	s7 =	simm.s32 @!p0 $0x108  }
0x21: {  	s3 =	sadd.s32 s3, s9;
	s6 =	sadd.s32 @!p0 $0x88, s6;
	s7 =	simm.s32 @p2 $0x1082  }
0x22: {  	[simem:s7], [sflag:s8] =	dma.local @!p0 [hbm:s6], $0xF7A  }
0x23: {  	s9 =	sor.u32 $0xD0000000, s2;
	s6 =	simm.s32 $0x108;
	_ =	swait.ge @!p0 [sflag:s8], $0x0  }
0x24: {  	s3 =	sadd.s32 $0x88, s3;
	s6 =	simm.s32 @!p1 $0x1082;
	[sflag:s4] =	ssyncset.s32 $0xFFFFF086  }
0x25: {  	[simem:s6], [sflag:s4] =	dma.local [hbm:s3], $0xF7A  }
0x26: {  	[smem:$0x3F9B] =	sst s1;
	(tag) =	ssettag s2;
	_ =	strace s9  }
0x27: {  	s1 =	sld [smem:$0x3FAB]  }
0x28: {  	s2 =	sld [smem:$0x3FAC]  }
0x29: {  	s4 =	sld [smem:$0x3FAE]  }
0x2a: {  	p0 =	seq.s32 s5, $0x0;
	s5 =	sld [smem:$0x3FAF]  }
0x2b: {  	s6 =	sld [smem:$0x3FB0]  }
0x2c: {  	s7 =	sld [smem:$0x3FB1]  }
0x2d: {  	s3 =	simm.s32 $0x108;
	s8 =	sld [smem:$0x3FB2]  }
0x2e: {  	s3 =	simm.s32 @!p0 $0x1082;
	s9 =	sld [smem:$0x3FB3]  }
0x2f: {  	lr =	sadd.s32 s0, s3;
	s0 =	sld [smem:$0x3FAA]  }
0x30: {  	s3 =	sld [smem:$0x3FAD]  }
0x31: {  	[smem:$0x3FB6] =	sst s10  }
0x32: {  	s10 =	sld [smem:$0x3FB4];
	_ =	sdelay $0x3  }
0x33: {  	p0 =	seq.s32 s10, $0x1;
	s10 =	sld [smem:$0x3FB6];
	_ =	sdelay $0x3  }
0x34: {  	[smem:$0x3FB6] =	sst s10  }
0x35: {  	s10 =	sld [smem:$0x3FB5];
	_ =	sdelay $0x3  }
0x36: {  	p1 =	seq.s32 s10, $0x1;
	s10 =	sld [smem:$0x3FB6];
	_ =	sdelay $0x3  }
0x37: {  	[smem:$0x3FB6] =	sst s10  }
0x38: {  	s10 =	sld [smem:$0x3FB7]  }
0x39: {  	_ = 	snop;
	(pc) =	sbr.ind lr, $3  }
0x3a: {  	_ = 	snop  }
0x3b: {  	_ = 	snop  }
0x3c: {  	p2 =	seq.s32 s10, $0x1;
	s10 =	sld [smem:$0x3FB6]  }
0x3d: {  	_ =	shalt  }
0x3e: {  	_ =	shalt  }
0x3f: {  	_ =	shalt  }
0x40: {  	_ =	shalt  }
0x41: {  	_ =	shalt  }
0x42: {  	_ =	shalt  }
0x43: {  	_ =	shalt  }
0x44: {  	_ =	shalt  }
0x45: {  	_ =	shalt  }
0x46: {  	_ =	shalt  }
0x47: {  	_ =	shalt  }
0x48: {  	_ =	shalt  }
0x49: {  	_ =	shalt  }
0x4a: {  	_ =	shalt  }
0x4b: {  	_ =	shalt  }
0x4c: {  	_ =	shalt  }
0x4d: {  	_ =	shalt  }
0x4e: {  	_ =	shalt  }
0x4f: {  	_ =	shalt  }
0x50: {  	_ =	shalt  }
0x51: {  	_ =	shalt  }
0x52: {  	_ =	shalt  }
0x53: {  	_ =	shalt  }
0x54: {  	_ =	shalt  }
0x55: {  	_ =	shalt  }
0x56: {  	_ =	shalt  }
0x57: {  	_ =	shalt  }
0x58: {  	_ =	shalt  }
0x59: {  	_ =	shalt  }
0x5a: {  	_ =	shalt  }
0x5b: {  	_ =	shalt  }
0x5c: {  	_ =	shalt  }
0x5d: {  	_ =	shalt  }
0x5e: {  	_ =	shalt  }
0x5f: {  	_ =	shalt  }
0x60: {  	_ =	shalt  }
0x61: {  	_ =	shalt  }
0x62: {  	_ =	shalt  }
0x63: {  	_ =	shalt  }
0x64: {  	_ =	shalt  }
0x65: {  	_ =	shalt  }
0x66: {  	_ =	shalt  }
0x67: {  	_ =	shalt  }
0x68: {  	_ =	shalt  }
0x69: {  	_ =	shalt  }
0x6a: {  	_ =	shalt  }
0x6b: {  	_ =	shalt  }
0x6c: {  	_ =	shalt  }
0x6d: {  	_ =	shalt  }
0x6e: {  	_ =	shalt  }
0x6f: {  	_ =	shalt  }
0x70: {  	_ =	shalt  }
0x71: {  	_ =	shalt  }
0x72: {  	_ =	shalt  }
0x73: {  	_ =	shalt  }
0x74: {  	_ =	shalt  }
0x75: {  	_ =	shalt  }
0x76: {  	_ =	shalt  }
0x77: {  	_ =	shalt  }
0x78: {  	_ =	shalt  }
0x79: {  	_ =	shalt  }
0x7a: {  	_ =	shalt  }
0x7b: {  	_ =	shalt  }
0x7c: {  	_ =	shalt  }
0x7d: {  	_ =	shalt  }
0x7e: {  	_ =	shalt  }
0x7f: {  	_ =	shalt  }
0x80: {  	_ =	shalt  }
0x81: {  	_ =	shalt  }
0x82: {  	_ =	shalt  }
0x83: {  	_ =	shalt  }
0x84: {  	_ =	shalt  }
0x85: {  	_ =	shalt  }
0x86: {  	_ =	shalt  }
0x87: {  	_ =	shalt  }
.Lfunc_end0:
.L_simem_size_0:
called_computation_lowered:
.L_overlay_start_0:
0x88: {  	s2 =	sld [smem:$0x3FD9]  }
0x89: {  	s3 =	sld [smem:$0x3FFE];
	_ =	sdelay $0x1  }
0x8a: {  	s1 =	srdreg.scid  }
0x8b: {  	s0 =	sand.u32 $0x1, s1  }
0x8c: {  	s14 =	sshll.u32 s0, $0xA;
	s2 =	sadd.s32 s3, s2  }
0x8d: {  	s2 =	sadd.s32 s2, s14  }
0x8e: {  	[smem:$0x3FC2] =	sst s2  }
0x8f: {  	_ = 	snop  }
0x90: {  	s2 =	sld [smem:$0x3FD0];
	_ =	sdelay $0x2  }
0x91: {  	s15 =	simm.s32 $0xA;
	s4 =	simm.s32 $0x10  }
0x92: {  	[smem:s4], [sflag:s15] =	dma.local [hbm:s2], $0x1  }
0x93: {  	_ =	swait.eq [sflag:s15], $0x1  }
0x94: {  	[sflag:s15] =	ssyncset.done $0x0  }
0x95: {  	[sflag:s15] =	ssyncadd.s32 $0xFFFFFFFF  }
0x96: {  	s16 =	sld [smem:$0x12];
	(tm) =	ssettm $0x1  }
0x97: {  	s17 =	sld [smem:$0x3FFB];
	_ =	sdelay $0x3  }
0x98: {  	_ =	strace s17  }
0x99: {  	s3 =	sld [smem:$0x3FFC];
	_ =	sdelay $0x3  }
0x9a: {  	_ =	strace s3  }
0x9b: {  	s3 =	sld [smem:$0x3FFD];
	_ =	sdelay $0x3  }
0x9c: {  	_ =	strace s3  }
0x9d: {  	_ =	strace $0x8FFFFFFF  }
0x9e: {  	s18 =	sld [smem:$0x3FDB];
	_ =	sdelay $0x1  }
0x9f: {  	s19 =	simm.s32 $_scs_section_size  }
0xa0: {  	s5 =	simm.s32 $_size__tile_overlayer_lowered;
	s6 =	simm.s32 $_tile_overlayer_lowered  }
0xa1: {  	s22 =	simm.s32 $0x1BFF;
	s21 =	sshll.u32 s6, $0x1;
	s3 =	sadd.s32 s19, s18  }
0xa2: {  	s7 =	simm.s32 $0x0;
	s20 =	sshll.u32 s5, $0x1;
	s5 =	sadd.s32 s21, s3  }
0xa3: {  	[timem:s7], [sflag:s22] =	dma.local [hbm:s5], s20  }
0xa4: {  	_ =	swait.ge [sflag:s22], s20  }
0xa5: {  	s4 =	ssub.s32 $0x0, s20;
	[sflag:s22] =	ssyncset.done $0x0  }
0xa6: {  	[sflag:s22] =	ssyncadd.s32 s4;
	_ =	sdelay $0x1  }
0xa7: {  	s23 =	simm.s32 $0x1B8B  }
0xa8: {  	_ =	swait.ge [sflag:s23], $0x1  }
0xa9: {  	[sflag:s23] =	ssyncset.done $0x0  }
0xaa: {  	s25 =	simm.s32 $0x1B8E;
	s24 =	sld [smem:$0x3FFE];
	[sflag:s23] =	ssyncadd.s32 $0xFFFFFFFF  }
0xab: {  	s26 =	simm.s32 $execute0_lowered;
	[smem:$0x3FD2] =	sst s25  }
0xac: {  	s5 =	sshll.u32 s26, $0x1;
	_ =	strace $0x80000046;
	[dreg:$0x1] =	wrdreg $0xFFFFFFFF  }
0xad: {  	s28 =	simm.s32 $_size_execute0_lowered;
	s3 =	sadd.s32 s3, s5;
	[dreg:$0x0] =	wrdreg $0x0  }
0xae: {  	s5 =	sshll.u32 s28, $0x1;
	[dreg:$0x2] =	wrdreg s3  }
0xaf: {  	[dreg:$0x3] =	wrdreg s5  }
0xb0: {  	[dreg:$0x4] =	wrdreg $0xC0  }
0xb1: {  	_ =	task [dreg:s7], $0x5FFFF  }
0xb2: {  	[dreg:$0x1] =	wrdreg $0xFFFFFFFF  }
0xb3: {  	[dreg:$0x0] =	wrdreg $0x60  }
0xb4: {  	[dreg:$0x2] =	wrdreg s16  }
0xb5: {  	[dreg:$0x3] =	wrdreg s24  }
0xb6: {  	[dreg:$0x4] =	wrdreg $0xC7800  }
0xb7: {  	[dreg:$0x5] =	wrdreg $0x9  }
0xb8: {  	_ =	task.clear_ibuf [dreg:s7], $0x6FFFF;
	_ =	strace $0x90000046  }
0xb9: {  	s29 =	simm.s32 $0x9;
	_ =	strace $0x80000048  }
0xba: {  	_ =	swait.ge [sflag:s29], $0x1  }
0xbb: {  	[sflag:s29] =	ssyncadd.s32 $0xFFFFFFFF  }
0xbc: {  	_ =	strace $0x90000048  }
0xbd: {  	_ =	sfence  }
0xbe: {  	s30 =	sld [smem:$0x0];
	_ =	sdelay $0x2  }
0xbf: {  	s31 =	sshll.u32 s1, $0xD;
	s1 =	sshrl.u32 s1, $0x2  }
0xc0: {  	s3 =	sand.u32 $0x4000, s31;
	s1 =	sadd.s32 s1, s30  }
0xc1: {  	s0 =	sor.u32 s3, s0;
	s1 =	sshll.u32 s1, $0x11  }
0xc2: {  	s0 =	sor.u32 s1, s0  }
0xc3: {  	s0 =	sadd.s32 $0x8F2B, s0  }
0xc4: {  	[sflag:s0] =	ssyncadd.remote.s32 $0x1  }
0xc5: {  	_ =	sfence.sel $0xFFFF  }
0xc6: {  	[dreg:$0x0] =	wrdreg $0xFFFFFFFF;
	(pc) =	sbr.abs _section_cstart, $3  }
0xc7: {  	[dreg:$0x1] =	wrdreg $0xFFFFFFFF  }
0xc8: {  	_ =	task.clear_ibuf [dreg:s7], $0x2FFFF;
	_ =	strace $0x9FFFFFFF  }
0xc9: {  	(tm) =	ssettm $0x7FFFFFFF  }
tec
execute0_lowered:
.L_overlay_start_1:
0x0: {  	(tag) =	ssettag $0x1  }
0x1: {  	s0 =	srdreg.scid;
	s1 =	rddreg [dreg:$0x1]  }
0x2: {  	s3 =	stileid.u32;
	s8 =	simm.s32 $0x0;
	s18 =	simm.s32 $0x1  }
0x3: {  	s28 =	simm.s32 $0x1E80;
	s29 =	simm.s32 $0x300;
	s30 =	simm.s32 $0x580  }
0x4: {  	s2 =	sshrl.u32 s3, $0x3;
	s4 =	sand.u32 $0x7, s3;
	s3 =	rddreg [dreg:$0x2]  }
0x5: {  	s31 =	simm.s32 $0x800;
	s0 =	sand.u32 $0x1, s0;
	[smem:$0x7FF] =	sst s8  }
0x6: {  	s5 =	sshll.u32 s0, $0x1;
	s6 =	smul.u32 $0xA00, s4;
	s0 =	ssub.s32 $0x2, s0  }
0x7: {  	_ =	strace $0x80000047;
	s8 =	sshll.u32 s2, $0xB;
	s10 =	sshll.u32 s4, $0x8  }
0x8: {  	p0 =	sne.s32 s4, $0x0;
	s5 =	sor.u32 s2, s5;
	s19 =	sshrl.u32 s0, $0x1  }
0x9: {  	s23 =	sadd.s32 s8, s3;
	s25 =	sxor.u32 $0x800, s8;
	s7 =	sshll.u32 s5, $0x7  }
0xa: {  	s5 =	smul.u32 $0x1300, s5;
	s0 =	ssub.s32 s0, s19;
	s2 =	sadd.s32 s10, s23  }
0xb: {  	s19 =	simm.s32 $0x80;
	s6 =	sor.u32 s6, s7;
	s26 =	sadd.s32 $0x1000, s2  }
0xc: {  	s2 =	sadd.s32 $0x2000, s2;
	s0 =	smax.u32 s0, $0x1;
	[dreg:$0xa] =	wrdreg s26  }
0xd: {  	s6 =	sshrl.u32 s6, $0x3;
	[dreg:$0xd] =	wrdreg s0;
	s0 =	simm.s32 @!p0 $0x0  }
0xe: {  	[dreg:$0xb] =	wrdreg s2;
	s6 =	sadd.s32 s6, s1;
	s0 =	simm.s32 @p0 $0x1  }
0xf: {  	s23 =	simm.s32 $0xF80;
	s20 =	sadd.s32 $0x2800, s6;
	[smem:$0x7FC] =	sst s0  }
0x10: {  	v0 =	vlaneseq.u32;
	v5 =	vimm.f32 $0.0e+00;
	v4 =	vmov s25;
	s25 =	simm.s32 $0x1980;
	s21 =	sadd.s32 $0x1E00, s6;
	[dreg:$0x4] =	wrdreg s20  }
0x11: {  	vm0 =	vcmask $0x1F1C;
	v6 =	vimm.f32 $-Inf;
	vm1 =	vcmask $0xB34;
	s26 =	simm.s32 $0x1C00;
	s22 =	sadd.s32 $0x1400, s6;
	[dreg:$0x5] =	wrdreg s21  }
0x12: {  	vm2 =	vcmask $0xF34;
	vm3 =	vcmask $0x1334;
	vm4 =	vcmask $0x1734;
	s2 =	simm.s32 $0x1F80;
	s24 =	sadd.s32 $0xA00, s6;
	[dreg:$0x6] =	wrdreg s22  }
0x13: {  	vm5 =	vcmask $0x1B34;
	vm6 =	vcmask $0x1F34;
	vm7 =	vcmask $0x2334;
	s1 =	sadd.s32 s5, s1;
	s9 =	sadd.s32 $0x3200, s6;
	[dreg:$0x7] =	wrdreg s24  }
0x14: {  	vm8 =	vcmask $0x2734;
	vm9 =	vcmask $0x2B34;
	vm10 =	vcmask $0x2F34;
	s5 =	smul.u32 $0x280, s4;
	s6 =	sadd.s32 $0x3C00, s6;
	[dreg:$0x8] =	wrdreg s9  }
0x15: {  	vm11 =	vmxor vm11, vm11;
	vm12 =	vmmov $0x1;
	v3 =	vmul.u32 $0x80, v0;
	p0 =	seq.s32 s4, $0x0;
	s1 =	sadd.s32 $0x4600, s1;
	[dreg:$0x9] =	wrdreg s6  }
0x16: {  	v5 =	vsel vm0, $0xBF800000, v5;
	vm0 =	vcmask $0x734;
	v7 =	vor.u32 $0x80000000, v0;
	s0 =	simm.s32 @!p0 $0x0;
	[dreg:$0xc] =	wrdreg s1;
	s21 =	simm.s32 $0xA80  }
0x17: {  	v2 =	vor.u32 s8, v3;
	v3 =	vor.u32 $0x1, v3;
	v4 =	vor.u32 $0xC, v4;
	s22 =	simm.s32 $0xD00;
	s24 =	simm.s32 $0x1200;
	s0 =	simm.s32 @p0 $0x1  }
0x18: {  	v1 =	vmov s8;
	v3 =	vor.u32 s8, v3;
	v4 =	vbroadcast v4, $0x0;
	s6 =	simm.s32 $0x0;
	[smem:$0x7FD] =	sst s0;
	s0 =	simm.s32 $0x1700  }
.LBB2_1:
0x19: {  	[dreg:$0xe] =	wrdreg s6  }
0x1a: {  	s1 =	rddreg [dreg:$0x0];
	s9 =	simm.s32 $0x0  }
0x1b: {  	[tilespmem:s9], [sflag:$0x1] =	stream.linear.gather [hbm4b:s1+s9], $0x80, $0x38;
	[tilespmem:$0xC7E0] =	vst v63  }
0x1c: {  	_ =	swait.ge [sflag:s18], $0x80  }
0x1d: {  	[sflag:s18] =	ssyncset.done $0x0  }
0x1e: {  	[sflag:s18] =	ssyncadd.s32 $0xFFFFFF80  }
0x1f: {  	v8 =	vld [tilespmem:$0x0];
	_ =	sdelay $0x4  }
0x20: {  	(v2sf) =	vpush v8, $0x0;
	_ =	sdelay $0xc  }
0x21: {  	s13 =	simm.s32 $0x200;
	s12 =	rddreg [dreg:$0x4]  }
0x22: {  	[tilespmem:s21], [sflag:$0x1] =	stream.strided.gather [hbm4b:s12+s19], $0x280, s13, s19, $0x38;
	[tilespmem:$0xC7E0] =	vst v63  }
0x23: {  	s4 =	spop (v2sf)  }
0x24: {  	_ =	swait.ge [sflag:s18], $0x280  }
0x25: {  	[sflag:s18] =	ssyncset.done $0x0  }
0x26: {  	s14 =	rddreg [dreg:$0x5];
	[sflag:s18] =	ssyncadd.s32 $0xFFFFFD80  }
0x27: {  	[tilespmem:s22], [sflag:$0x1] =	stream.strided.gather [hbm4b:s14+s19], $0x280, s13, s19, $0x38;
	[tilespmem:$0xC7E0] =	vst v63  }
0x28: {  	_ =	swait.ge [sflag:s18], $0x280  }
0x29: {  	[sflag:s18] =	ssyncset.done $0x0  }
0x2a: {  	s15 =	rddreg [dreg:$0x6];
	[sflag:s18] =	ssyncadd.s32 $0xFFFFFD80  }
0x2b: {  	[tilespmem:s23], [sflag:$0x1] =	stream.strided.gather [hbm4b:s15+s19], $0x280, s13, s19, $0x38;
	[tilespmem:$0xC7E0] =	vst v63  }
0x2c: {  	_ =	swait.ge [sflag:s18], $0x280  }
0x2d: {  	[sflag:s18] =	ssyncset.done $0x0  }
0x2e: {  	s16 =	rddreg [dreg:$0x7];
	[sflag:s18] =	ssyncadd.s32 $0xFFFFFD80  }
0x2f: {  	[tilespmem:s24], [sflag:$0x1] =	stream.strided.gather [hbm4b:s16+s19], $0x280, s13, s19, $0x38;
	[tilespmem:$0xC7E0] =	vst v63  }
0x30: {  	_ =	swait.ge [sflag:s18], $0x280  }
0x31: {  	[sflag:s18] =	ssyncset.done $0x0  }
0x32: {  	s17 =	rddreg [dreg:$0x8];
	[sflag:s18] =	ssyncadd.s32 $0xFFFFFD80  }
0x33: {  	[tilespmem:s25], [sflag:$0x1] =	stream.strided.gather [hbm4b:s17+s19], $0x280, s13, s19, $0x38;
	[tilespmem:$0xC7E0] =	vst v63  }
0x34: {  	_ =	swait.ge [sflag:s18], $0x280  }
0x35: {  	[sflag:s18] =	ssyncset.done $0x0  }
0x36: {  	s20 =	rddreg [dreg:$0x9];
	[sflag:s18] =	ssyncadd.s32 $0xFFFFFD80  }
0x37: {  	[tilespmem:s26], [sflag:$0x1] =	stream.strided.gather [hbm4b:s20+s19], $0x280, s13, s19, $0x38;
	[tilespmem:$0xC7E0] =	vst v63  }
0x38: {  	_ =	swait.ge [sflag:s18], $0x280  }
0x39: {  	[sflag:s18] =	ssyncset.done $0x0  }
0x3a: {  	s6 =	simm.s32 $0x0;
	[sflag:s18] =	ssyncadd.s32 $0xFFFFFD80  }
0x3b: {  	v10 =	vld [tilespmem:s6+$0x1200]  }
0x3c: {  	v11 =	vld [tilespmem:s6+$0xD00]  }
0x3d: {  	v12 =	vld [tilespmem:s6+$0xA80]  }
0x3e: {  	v15 =	vld [tilespmem:s6+$0x1C00]  }
0x3f: {  	v9 =	vbroadcast v8, $0x0  }
0x40: {  	v14 =	vld [tilespmem:s6+$0xF80];
	v10 =	vmax.f32 v10, $0.0e+00  }
0x41: {  	v11 =	vmax.f32 v11, $0.0e+00;
	v16 =	vmin.f32 v10, v9  }
0x42: {  	s7 =	sadd.f32 $1.000000000e+00, s4;
	v17 =	vld [tilespmem:s6+$0x1980];
	v10 =	vmax.f32 v12, $0.0e+00;
	v12 =	vmin.f32 v11, v9;
	[tilespmem:s6+$0x1200] =	vst v16  }
0x43: {  	v19 =	vcvt.s32.f32 v15;
	v18 =	vmin.f32 v10, v9;
	[tilespmem:s6+$0xD00] =	vst v12  }
0x44: {  	v13 =	vbroadcast v8, $0x3;
	s4 =	simm.s32 $0x10;
	v11 =	vbroadcast v8, $0x2;
	v10 =	vmov s7;
	[tilespmem:s6+$0xA80] =	vst v18  }
0x45: {  	v14 =	vmax.f32 v14, $0.0e+00;
	vm13 =	veq.s32 v15, $0x0;
	v15 =	vmul.f32 v19, v10;
	v21 =	vld [tilespmem:s4+$0xD00]  }
0x46: {  	v14 =	vmin.f32 v14, v9;
	v19 =	vsel vm13, v11, v13;
	v20 =	vld [tilespmem:s4+$0x1200]  }
0x47: {  	v23 =	vld [tilespmem:s4+$0xA80];
	[tilespmem:s6+$0xF80] =	vst v14;
	v19 =	vmul.f32 v17, v19;
	v18 =	vadd.f32 v18, v15;
	v16 =	vadd.f32 v16, v15  }
0x48: {  	vm13 =	vgt.f32 v17, $3.000000120e-01;
	v25 =	vld [tilespmem:s4+$0xF80];
	v26 =	vadd.f32 v12, v15;
	v15 =	vadd.f32 v14, v15  }
0x49: {  	v22 =	vld [tilespmem:s4+$0x1C00];
	v12 =	vimm.s32 $0x0;
	v17 =	vnsel vm13, $0xFF800000, v19;
	v19 =	vor.u32 s9, v0;
	[tilespmem:s6+$0x800] =	vst v16  }
0x4a: {  	vm13 =	vgt.f32 v17, v6;
	[tilespmem:s6+$0x80] =	vst v18;
	v18 =	vsub.f32 v15, v18;
	v16 =	vsub.f32 v16, v26  }
0x4b: {  	v14 =	vsel vm13, v19, v12;
	v19 =	vsel vm13, v12, v19;
	v24 =	vmax.f32 v20, $0.0e+00  }
0x4c: {  	[tilespmem:s6+$0x580] =	vst v15;
	v20 =	vsel vm13, v6, v17;
	v15 =	vmax.f32 v23, $0.0e+00;
	v23 =	vmax.f32 v21, $0.0e+00  }
0x4d: {  	v21 =	vld [tilespmem:s4+$0x1980];
	[tilespmem:s6+$0x300] =	vst v26;
	v27 =	vmul.f32 v16, v18;
	v16 =	vimm.f32 $-Inf;
	v24 =	vmin.f32 v24, v9  }
0x4e: {  	v18 =	vimm.f32 $-Inf;
	v23 =	vmin.f32 v23, v9;
	v25 =	vmax.f32 v25, $0.0e+00;
	[tilespmem:s4+$0x1200] =	vst v24  }
0x4f: {  	s7 =	simm.s32 $0x0;
	s9 =	simm.s32 $0x80;
	v28 =	vcvt.s32.f32 v22;
	v26 =	vmin.f32 v15, v9;
	v25 =	vmin.f32 v25, v9;
	[tilespmem:s4+$0xD00] =	vst v23;
	v15 =	vmovc v14  }
.LBB2_2:
0x50: {  	s12 =	smov.u32 s9  }
0x51: {  	s11 =	sshra.s32 s9, $0x2;
	[tilespmem:s4+$0xA80] =	vst v26;
	vm14 =	veq.s32 v22, $0x0;
	vm15 =	vgt.f32 v20, v16;
	v18 =	vsel vm13, v17, v18;
	s7 =	sadd.s32 $0x10, s7;
	s12 =	sadd.s32 $0x40, s9  }
0x52: {  	p2 =	sne.s32 s9, $0x9C0;
	v22 =	vmul.f32 v28, v10;
	v28 =	vsel vm14, v11, v13;
	v16 =	vsel vm15, v20, v16;
	v29 =	vld [tilespmem:s11+$0xD00];
	[tilespmem:s6+$0x1700] =	vst v17  }
0x53: {  	v12 =	vsel vm15, v19, v12;
	v17 =	vmul.f32 v21, v28;
	v20 =	vld [tilespmem:s11+$0x1200];
	[tilespmem:s6+$0x1480] =	vst v27;
	s6 =	smov.u32 s4;
	s4 =	smov.u32 s11  }
0x54: {  	vm13 =	vgt.f32 v21, $3.000000120e-01;
	v19 =	vadd.f32 v26, v22;
	v24 =	vadd.f32 v24, v22;
	v27 =	vld [tilespmem:s4+$0xA80];
	[tilespmem:s6+$0xF80] =	vst v25  }
0x55: {  	v23 =	vadd.f32 v23, v22;
	v21 =	vadd.f32 v25, v22;
	v17 =	vnsel vm13, $0xFF800000, v17;
	v26 =	vld [tilespmem:s4+$0xF80]  }
0x56: {  	v25 =	vor.u32 s7, v0;
	vm13 =	vgt.f32 v17, v18;
	v22 =	vld [tilespmem:s4+$0x1C00];
	[tilespmem:s6+$0x800] =	vst v24  }
.Ltmp0:
0x57: {  	v28 =	vsub.f32 v21, v19;
	v30 =	vsub.f32 v24, v23;
	v14 =	vsel vm13, v25, v14;
	[tilespmem:s6+$0x80] =	vst v19;
	(pc) =	sbr.rel @p2 .LBB2_2-.Ltmp0, $4  }
0x58: {  	v19 =	vsel vm13, v15, v25;
	v15 =	vmovc v14;
	v24 =	vmax.f32 v20, $0.0e+00;
	[tilespmem:s6+$0x580] =	vst v21;
	v20 =	vsel vm13, v18, v17  }
0x59: {  	v25 =	vmax.f32 v27, $0.0e+00;
	v27 =	vmax.f32 v29, $0.0e+00;
	v24 =	vmin.f32 v24, v9;
	v21 =	vld [tilespmem:s4+$0x1980];
	[tilespmem:s6+$0x300] =	vst v23  }
0x5a: {  	v23 =	vmin.f32 v27, v9;
	v29 =	vmax.f32 v26, $0.0e+00;
	[tilespmem:s4+$0x1200] =	vst v24;
	v27 =	vmul.f32 v30, v28  }
0x5b: {  	s9 =	smov.u32 s12;
	v26 =	vmin.f32 v25, v9;
	v28 =	vcvt.s32.f32 v22;
	v25 =	vmin.f32 v29, v9;
	[tilespmem:s4+$0xD00] =	vst v23  }
0x5c: {  	(v2sf) =	vpush v8, $0x1;
	_ =	sdelay $0x5  }
0x5d: {  	[tilespmem:s4+$0xA80] =	vst v26;
	v9 =	vmul.f32 v28, v10  }
0x5e: {  	vm14 =	veq.s32 v22, $0x0;
	s1 =	sld [smem:$0x7FC];
	[tilespmem:s6+$0x1700] =	vst v17  }
0x5f: {  	v10 =	vsel vm14, v11, v13;
	[tilespmem:s6+$0x1480] =	vst v27;
	v11 =	vadd.f32 v26, v9;
	v62 =	vadd.f32 v24, v9  }
0x60: {  	v10 =	vmul.f32 v21, v10;
	[tilespmem:s4+$0xF80] =	vst v25;
	v22 =	vadd.f32 v23, v9;
	v9 =	vadd.f32 v25, v9  }
0x61: {  	v63 =	vsel vm13, v17, v18;
	vm14 =	vgt.f32 v20, v16;
	vm13 =	vgt.f32 v21, $3.000000120e-01;
	p0 =	seq.s32 s1, $0x1;
	[tilespmem:s4+$0x800] =	vst v62  }
.Ltmp1:
0x62: {  	v10 =	vnsel vm13, $0xFF800000, v10;
	[tilespmem:s4+$0x80] =	vst v11;
	v11 =	vsub.f32 v9, v11;
	v13 =	vsub.f32 v62, v22;
	(pc) =	sbr.rel @p0 .LBB2_7-.Ltmp1, $4  }
0x63: {  	s20 =	sadd.s32 $0x10, s7;
	v16 =	vsel vm14, v20, v16;
	v12 =	vsel vm14, v19, v12;
	vm13 =	vgt.f32 v10, v63;
	[tilespmem:s4+$0x580] =	vst v9  }
0x64: {  	v9 =	vor.u32 s20, v0;
	[tilespmem:s4+$0x300] =	vst v22;
	v18 =	vsel vm13, v63, v10;
	v11 =	vmul.f32 v13, v11  }
0x65: {  	[tilespmem:s4+$0x1700] =	vst v10;
	v25 =	vsel vm13, v9, v14;
	v9 =	vsel vm13, v15, v9;
	vm14 =	vgt.f32 v18, v16  }
0x66: {  	v23 =	vsel vm13, v10, v63;
	v24 =	vsel vm14, v18, v16;
	v22 =	vsel vm14, v9, v12;
	[tilespmem:s4+$0x1480] =	vst v11;
	s4 =	spop (v2sf)  }
0x67: {  	s6 =	simm.s32 $0x200;
	s7 =	simm.s32 $0x0  }
.LBB2_5:
0x68: {  	p2 =	sne.s32 s6, $0x25E00;
	[tilespmem:s7+$0x2F80] =	vst v5;
	s7 =	smov.u32 s6;
	s6 =	sadd.s32 $0x200, s6  }
.Ltmp2:
0x69: {  	(pc) =	sbr.rel @p2 .LBB2_5-.Ltmp2, $2  }
0x6a: {  	_ =	sdelay $0x2  }
0x6b: {  	s7 =	sshra.s32 s7, $0x2  }
0x6c: {  	[tilespmem:s7+$0x2F80] =	vst v5  }
.LBB2_7:
0x6d: {  	[tilespmem:$0x1E80] =	vst v6  }
0x6e: {  	[tilespmem:$0x1F00] =	vst v6;
	s1 =	rddreg [dreg:$0xa]  }
0x6f: {  	[spmem:s1] =	stream.linear.scatter [tilespmem:s28], [sflag:$0x1], $0x100, $0x38;
	[tilespmem:$0xC7E0] =	vst v63  }
0x70: {  	_ =	swait.ge [sflag:s18], $0x100  }
0x71: {  	[sflag:s18] =	ssyncset.done $0x0  }
0x72: {  	s20 =	rddreg [dreg:$0xb];
	[sflag:s18] =	ssyncadd.s32 $0xFFFFFF00  }
0x73: {  	[spmem:s20] =	stream.linear.scatter [tilespmem:s28], [sflag:$0x1], $0x100, $0x38;
	[tilespmem:$0xC7E0] =	vst v63  }
0x74: {  	_ =	swait.ge [sflag:s18], $0x100  }
0x75: {  	[sflag:s18] =	ssyncset.done $0x0  }
0x76: {  	s6 =	simm.s32 $0x0;
	[sflag:s18] =	ssyncadd.s32 $0xFFFFFF00  }
0x77: {  	v8 =	vbroadcast v8, $0x1;
	p1 =	por $0x0, $0x0;
	s7 =	simm.s32 $0x0;
	[bflag:$0x0] =	sbarrier.arrive $0xFFFF  }
.LBB2_8:
0x78: {  	(xrf0) =	vmax.scan.msk.f32 $0xffff, v23;
	_ =	sdelay $0x5  }
0x79: {  	v9, _, _ =	vpop (xrf0)  }
0x7a: {  	v9 =	vbroadcast v9, $0xF;
	_ =	sdelay $0x1  }
0x7b: {  	v10 =	vxor.u32 $0x80000000, v25;
	vm13 =	veq.f32 v23, v9  }
0x7c: {  	v10 =	vnsel vm13, $0xC0000000, v10  }
0x7d: {  	(xrf0) =	vmin.scan.msk.u32 $0xffff, v10;
	_ =	sdelay $0x5  }
0x7e: {  	v10, _, _ =	vpop (xrf0)  }
0x7f: {  	(v2sf) =	vpush v10, $0xF;
	_ =	sdelay $0xe  }
0x80: {  	s9 =	spop (v2sf)  }
0x81: {  	s9 =	sxor.u32 $0x80000000, s9  }
0x82: {  	vm14 =	veq.s32 v25, s9  }
0x83: {  	vm13 =	vmand vm13, vm14  }
0x84: {  	v10 =	vsel vm13, $0xFF800000, v23  }
0x85: {  	vm14 =	vlt.s32 v22, v25;
	vm13 =	veq.f32 v24, v10  }
0x86: {  	vm15 =	vgt.f32 v24, v10;
	vm13 =	vmand vm14, vm13  }
0x87: {  	vm13 =	vmor vm15, vm13  }
0x88: {  	v10 =	vsel vm13, v24, v10  }
0x89: {  	(xrf0) =	vmax.scan.msk.f32 $0xffff, v10;
	_ =	sdelay $0x5  }
0x8a: {  	v11, _, _ =	vpop (xrf0)  }
0x8b: {  	v11 =	vbroadcast v11, $0xF  }
0x8c: {  	v12 =	vsel vm13, v22, v25  }
0x8d: {  	vm13 =	veq.f32 v10, v11;
	v10 =	vxor.u32 $0x80000000, v12  }
0x8e: {  	v10 =	vnsel vm13, $0xC0000000, v10  }
0x8f: {  	(xrf0) =	vmin.scan.msk.u32 $0xffff, v10;
	_ =	sdelay $0x5  }
0x90: {  	v10 =	vmov s9;
	v12, _, _ =	vpop (xrf0)  }
0x91: {  	(v2sf) =	vpush v12, $0xF;
	_ =	sdelay $0x3  }
0x92: {  	v13 =	vld.idx.msk [tilespmem:v10+s29+$0x0], $0xffff  }
0x93: {  	v12 =	vld.idx.msk [tilespmem:v10+s19+$0x0], $0xffff  }
0x94: {  	s9 =	sadd.s32 s5, s9;
	v14 =	vld.idx.msk [tilespmem:v10+s30+$0x0], $0xffff  }
0x95: {  	s9 =	scvt.s32.f32 s9;
	v15 =	vld.idx.msk [tilespmem:v10+s31+$0x0], $0xffff  }
0x96: {  	vm13 =	veq.s32 v0, $0x1;
	v16 =	vld.idx.msk [tilespmem:v10+s26+$0x0], $0xffff  }
0x97: {  	v9 =	vsel vm13, s9, v9;
	v17 =	vld.idx.msk [tilespmem:v10+s25+$0x0], $0xffff  }
0x98: {  	v9 =	vsel vm0, v9, v12  }
0x99: {  	v12 =	vld.idx.msk [tilespmem:v10+s21+$0x0], $0xffff;
	v9 =	vsel vm1, v9, v13  }
0x9a: {  	v13 =	vld.idx.msk [tilespmem:v10+s22+$0x0], $0xffff;
	v9 =	vsel vm2, v9, v14  }
0x9b: {  	v14 =	vcvt.s32.f32 v16;
	v9 =	vsel vm3, v9, v15;
	v15 =	vld.idx.msk [tilespmem:v10+s23+$0x0], $0xffff  }
0x9c: {  	v10 =	vld.idx.msk [tilespmem:v10+s24+$0x0], $0xffff;
	v9 =	vsel vm4, v9, v17  }
0x9d: {  	v9 =	vsel vm5, v9, v14;
	s12 =	spop (v2sf)  }
0x9e: {  	v9 =	vsel vm6, v9, v12;
	s9 =	sxor.u32 $0x80000000, s12  }
0x9f: {  	v9 =	vsel vm7, v9, v13;
	v12 =	vmov s9  }
0xa0: {  	s11 =	simm.f32 $1.000000000e+00;
	v9 =	vsel vm8, v9, v15  }
0xa1: {  	s11 =	simm.s32 @!p1 $0x0;
	v9 =	vsel vm9, v9, v10  }
0xa2: {  	v9 =	vnsel vm10, s11, v9  }
0xa3: {  	[tilespmem:$0x1E80] =	vst v9  }
0xa4: {  	v9 =	vld.idx.msk [tilespmem:v12+s19+$0x0], $0xffff  }
0xa5: {  	v10 =	vld.idx.msk [tilespmem:v12+s29+$0x0], $0xffff  }
0xa6: {  	s9 =	sadd.s32 s5, s9;
	v13 =	vld.idx.msk [tilespmem:v12+s30+$0x0], $0xffff  }
0xa7: {  	s9 =	scvt.s32.f32 s9;
	v14 =	vld.idx.msk [tilespmem:v12+s31+$0x0], $0xffff  }
0xa8: {  	v15 =	vld.idx.msk [tilespmem:v12+s26+$0x0], $0xffff  }
0xa9: {  	v11 =	vsel vm13, s9, v11;
	v16 =	vld.idx.msk [tilespmem:v12+s25+$0x0], $0xffff  }
0xaa: {  	v9 =	vsel vm0, v11, v9  }
0xab: {  	v9 =	vsel vm1, v9, v10;
	v10 =	vld.idx.msk [tilespmem:v12+s21+$0x0], $0xffff  }
0xac: {  	v11 =	vld.idx.msk [tilespmem:v12+s22+$0x0], $0xffff;
	v9 =	vsel vm2, v9, v13  }
0xad: {  	v13 =	vcvt.s32.f32 v15;
	v9 =	vsel vm3, v9, v14;
	v14 =	vld.idx.msk [tilespmem:v12+s23+$0x0], $0xffff  }
0xae: {  	v12 =	vld.idx.msk [tilespmem:v12+s24+$0x0], $0xffff;
	v9 =	vsel vm4, v9, v16  }
0xaf: {  	v9 =	vsel vm5, v9, v13  }
0xb0: {  	s13 =	sshll.u32 s6, $0xC;
	v9 =	vsel vm6, v9, v10  }
0xb1: {  	s9 =	sand.u32 $0x1000, s13;
	v9 =	vsel vm7, v9, v11  }
0xb2: {  	s9 =	sadd.s32 s9, s3;
	v9 =	vsel vm8, v9, v14  }
0xb3: {  	s1 =	simm.s32 @!p1 $0x0;
	s9 =	sadd.s32 $0x1000, s9;
	v9 =	vsel vm9, v9, v12  }
0xb4: {  	s1 =	simm.s32 @p1 $0x1;
	s14 =	sadd.s32 s8, s9;
	v9 =	vnsel vm10, s11, v9  }
0xb5: {  	[smem:$0x7FB] =	sst s1;
	s11 =	sadd.s32 s10, s14;
	[tilespmem:$0x1F00] =	vst v9  }
0xb6: {  	[spmem:s11] =	stream.linear.scatter [tilespmem:s28], [sflag:$0x1], $0x100, $0x38;
	[tilespmem:$0xC7E0] =	vst v63  }
0xb7: {  	_ =	swait.ge [sflag:s18], $0x100  }
0xb8: {  	[sflag:s18] =	ssyncset.done $0x0  }
0xb9: {  	[sflag:s18] =	ssyncadd.s32 $0xFFFFFF00  }
0xba: {  	[bflag:$0x0] =	sbarrier.arrive $0xFFFF  }
0xbb: {  	[tilespmem:s2], [sflag:$0x1] =	stream.linear.gather [spmem:s9], $0x1000, $0x38;
	[tilespmem:$0xC7E0] =	vst v63  }
0xbc: {  	_ =	swait.ge [sflag:s18], $0x1000  }
0xbd: {  	[sflag:s18] =	ssyncset.done $0x0  }
0xbe: {  	[sflag:s18] =	ssyncadd.s32 $0xFFFFF000  }
0xbf: {  	v9 =	vld.idx.msk [tilespmem:v2+s2+$0x0], $0xffff;
	_ =	sdelay $0x4  }
0xc0: {  	(xrf0) =	vmax.scan.msk.f32 $0xffff, v9;
	_ =	sdelay $0x4  }
0xc1: {  	v10 =	vld.idx.msk [tilespmem:v3+s2+$0x0], $0xffff  }
0xc2: {  	v11, _, _ =	vpop (xrf0)  }
0xc3: {  	v12 =	vbroadcast v11, $0xF;
	_ =	sdelay $0x1  }
0xc4: {  	vm13 =	veq.f32 v9, v12  }
0xc5: {  	v12 =	vnsel vm13, $0x7F800000, v10  }
0xc6: {  	(xrf0) =	vmin.scan.msk.f32 $0xffff, v12;
	_ =	sdelay $0x5  }
0xc7: {  	v12, _, _ =	vpop (xrf0)  }
0xc8: {  	v13 =	vbroadcast v12, $0xF;
	_ =	sdelay $0x1  }
0xc9: {  	vm14 =	veq.f32 v10, v13  }
0xca: {  	vm13 =	vmand vm13, vm14  }
0xcb: {  	v13 =	vnsel vm13, $0x80000010, v7  }
0xcc: {  	(xrf0) =	vmin.scan.msk.u32 $0xffff, v13;
	_ =	sdelay $0x4  }
0xcd: {  	(v2sf) =	vpush v11, $0xF  }
0xce: {  	(v2sf) =	vpush v12, $0xF;
	v11, _, _ =	vpop (xrf0)  }
0xcf: {  	(v2sf) =	vpush v11, $0xF;
	_ =	sdelay $0xc  }
0xd0: {  	s9 =	spop (v2sf)  }
0xd1: {  	s15 =	spop (v2sf)  }
0xd2: {  	s12 =	spop (v2sf)  }
0xd3: {  	s12 =	sxor.u32 $0x80000000, s12  }
0xd4: {  	v11 =	vmov s12  }
0xd5: {  	vm13 =	veq.s32 v11, v0  }
0xd6: {  	v9 =	vsel vm13, $0xFF800000, v9  }
0xd7: {  	(xrf0) =	vmax.scan.msk.f32 $0xffff, v9;
	_ =	sdelay $0x5  }
0xd8: {  	v12, _, _ =	vpop (xrf0)  }
0xd9: {  	v13 =	vbroadcast v12, $0xF;
	_ =	sdelay $0x1  }
0xda: {  	vm13 =	veq.f32 v9, v13  }
0xdb: {  	v9 =	vnsel vm13, $0x7F800000, v10  }
0xdc: {  	(xrf0) =	vmin.scan.msk.f32 $0xffff, v9;
	_ =	sdelay $0x5  }
0xdd: {  	v9, _, _ =	vpop (xrf0)  }
0xde: {  	v13 =	vbroadcast v9, $0xF;
	_ =	sdelay $0x1  }
0xdf: {  	vm14 =	veq.f32 v10, v13  }
0xe0: {  	vm13 =	vmand vm13, vm14  }
0xe1: {  	v10 =	vnsel vm13, $0x80000010, v7  }
0xe2: {  	(xrf0) =	vmin.scan.msk.u32 $0xffff, v10;
	_ =	sdelay $0x4  }
0xe3: {  	(v2sf) =	vpush v12, $0xF  }
0xe4: {  	(v2sf) =	vpush v9, $0xF;
	v9, _, _ =	vpop (xrf0)  }
0xe5: {  	(v2sf) =	vpush v9, $0xF;
	_ =	sdelay $0xc  }
0xe6: {  	s16 =	spop (v2sf);
	v9 =	vshll.u32 v11, $0x7  }
0xe7: {  	v10 =	vadd.s32 v1, v9;
	s13 =	spop (v2sf)  }
0xe8: {  	v11 =	vor.u32 $0x2, v10;
	s14 =	spop (v2sf)  }
0xe9: {  	v12 =	vor.u32 $0x3, v10;
	s14 =	sshll.u32 s14, $0x7  }
0xea: {  	v13 =	vor.u32 $0x4, v10;
	s14 =	sadd.s32 s8, s14  }
0xeb: {  	v14 =	vor.u32 $0x5, v10;
	v9 =	vmov s14  }
0xec: {  	v15 =	vor.u32 $0x2, v9  }
0xed: {  	v11 =	vld.idx.msk [tilespmem:v11+s2+$0x0], $0xffff;
	v16 =	vor.u32 $0x3, v9  }
0xee: {  	v12 =	vld.idx.msk [tilespmem:v12+s2+$0x0], $0xffff;
	v17 =	vor.u32 $0x4, v9  }
0xef: {  	v13 =	vld.idx.msk [tilespmem:v13+s2+$0x0], $0xffff;
	v18 =	vor.u32 $0x5, v9  }
0xf0: {  	v14 =	vld.idx.msk [tilespmem:v14+s2+$0x0], $0xffff  }
0xf1: {  	v19 =	vld.idx.msk [tilespmem:v15+s2+$0x0], $0xffff  }
0xf2: {  	v20 =	vld.idx.msk [tilespmem:v16+s2+$0x0], $0xffff  }
0xf3: {  	v21 =	vld.idx.msk [tilespmem:v17+s2+$0x0], $0xffff  }
0xf4: {  	p3 =	sgt.f32 s9, $-Inf;
	v22 =	vld.idx.msk [tilespmem:v18+s2+$0x0], $0xffff;
	_ =	sdelay $0x1  }
0xf5: {  	v11 =	vpsel !p3, $0x7F800000, v11  }
0xf6: {  	v12 =	vpsel !p3, $0x7F800000, v12;
	v13 =	vpsel !p3, $0xFF800000, v13;
	v14 =	vpsel !p3, $0xFF800000, v14  }
0xf7: {  	v15 =	vsub.f32 v13, v11;
	v16 =	vsub.f32 v14, v12  }
0xf8: {  	v17 =	vsub.f32 v21, v19;
	v18 =	vsub.f32 v22, v20;
	v23 =	vmax.f32 v11, v19  }
0xf9: {  	v24 =	vmax.f32 v12, v20;
	v25 =	vmin.f32 v13, v21;
	v26 =	vmin.f32 v14, v22  }
0xfa: {  	v23 =	vsub.f32 v25, v23;
	v24 =	vsub.f32 v26, v24  }
0xfb: {  	v15 =	vmul.f32 v16, v15;
	v16 =	vmul.f32 v18, v17  }
0xfc: {  	v17 =	vmax.f32 v23, $0.0e+00;
	v18 =	vmax.f32 v24, $0.0e+00  }
0xfd: {  	v17 =	vmul.f32 v18, v17;
	v16 =	vadd.f32 v16, v15;
	_ =	sdelay $0x1  }
0xfe: {  	v16 =	vsub.f32 v16, v17;
	_ =	sdelay $0x1  }
0xff: {  	v16 =	vadd.f32 $9.999999710e-10, v16;
	_ =	sdelay $0x1  }
0x100: {  	(erf) = vrcp.f32 v16;
	_ =	sdelay $0x8  }
0x101: {  	v16 =	vpop (erf)  }
0x102: {  	v16 =	vmul.f32 v16, v17;
	_ =	sdelay $0x1  }
0x103: {  	(v2sf) =	vpush v16, $0x0;
	_ =	sdelay $0xe  }
0x104: {  	p4 =	sgt.f32 s16, $-Inf;
	s17 =	spop (v2sf)  }
0x105: {  	p5 =	sgt.f32 s17, s4  }
0x106: {  	p4 =	por !p4, !p3  }
0x107: {  	s11 =	scvt.f32.s32 s15;
	p4 =	por !p4, !p4;
	p5 =	por !p5, !p5  }
0x108: {  	s12 =	scvt.f32.s32 s13;
	p4 =	por !p4, !p5  }
0x109: {  	s11 =	simm.s32 @!p3 $0xFFFFFFFF;
	p4 =	por !p4, !p4  }
0x10a: {  	s11 =	ssub.s32 s11, s5;
	s12 =	simm.s32 @!p4 $0xFFFFFFFF  }
0x10b: {  	p6 =	sgt.s32 s11, $0x0;
	s12 =	ssub.s32 s12, s5  }
0x10c: {  	vm13 =	vmmov vm11;
	p5 =	slt.u32 s11, $0x280;
	s11 =	simm.s32 @!p6 $0x0;
	p1 =	sgt.s32 s12, $0x0  }
0x10d: {  	vm13 =	vmneg @p5 vm13;
	s11 =	smin.u32 s11, $0x27F;
	p6 =	slt.u32 s12, $0x280;
	s12 =	simm.s32 @!p1 $0x0  }
0x10e: {  	vm14 =	vmmov vm11;
	v16 =	vmov s11;
	vm13 =	vmand vm13, vm12;
	s20 =	smin.u32 s12, $0x27F  }
0x10f: {  	v24 =	vbroadcast v16, $0x0;
	vm14 =	vmneg @p6 vm14;
	v16 =	vmov s20  }
0x110: {  	vm14 =	vmand vm14, vm12;
	v25 =	vbroadcast v16, $0x0;
	_ =	sdelay $0x1  }
0x111: {  	v17 =	vpsel !p4, $0x7F800000, v20  }
0x112: {  	v18 =	vpsel !p4, $0xFF800000, v21;
	v16 =	vpsel !p4, $0x7F800000, v19;
	v19 =	vpsel !p4, $0xFF800000, v22  }
0x113: {  	s15 =	simm.s32 $0x340;
	s16 =	simm.s32 $0x5C0;
	v23 =	vimm.f32 $-Inf;
	v21 =	vsub.f32 v18, v16;
	v22 =	vsub.f32 v19, v17  }
0x114: {  	s13 =	simm.s32 $0x1740;
	s14 =	simm.s32 $0xC0;
	s17 =	simm.s32 $0x840;
	v20 =	vld.idx.msk [tilespmem:v4+s2+$0x0], $0xffff;
	[tilespmem:v24+s0+$0x0] =	vst.idx.msk vm13, v23;
	v24 =	vimm.f32 $-Inf  }
0x115: {  	s11 =	simm.s32 $0xFFFFFFF8;
	s12 =	simm.s32 $0x70;
	s20 =	simm.s32 $0x14C0;
	v21 =	vmul.f32 v22, v21;
	v22 =	vimm.s32 $0x0;
	[tilespmem:v25+s0+$0x0] =	vst.idx.msk vm14, v23;
	v25 =	vimm.s32 $0x0  }
.LBB2_9:
0x116: {  	v26 =	vld [tilespmem:s14+$0xFFFFFFC0]  }
0x117: {  	v27 =	vld [tilespmem:s15+$0xFFFFFFC0]  }
0x118: {  	v28 =	vld [tilespmem:s16+$0xFFFFFFC0]  }
0x119: {  	v29 =	vld [tilespmem:s17+$0xFFFFFFC0]  }
0x11a: {  	v30 =	vld [tilespmem:s20+$0xFFFFFFC0]  }
0x11b: {  	v62 =	vld [tilespmem:s14+$0xFFFFFFD0]  }
0x11c: {  	v63 =	vld [tilespmem:s15+$0xFFFFFFD0]  }
0x11d: {  	v40 =	vld [tilespmem:s16+$0xFFFFFFD0]  }
0x11e: {  	v41 =	vld [tilespmem:s17+$0xFFFFFFD0]  }
0x11f: {  	v42 =	vld [tilespmem:s20+$0xFFFFFFD0]  }
0x120: {  	v36 =	vld [tilespmem:s14+$0xFFFFFFE0]  }
0x121: {  	v44 =	vld [tilespmem:s16+$0xFFFFFFE0]  }
0x122: {  	v45 =	vld [tilespmem:s15+$0xFFFFFFE0];
	v31 =	vmax.f32 v11, v26  }
0x123: {  	v52 =	vld [tilespmem:s20+$0xFFFFFFE0];
	v32 =	vmin.f32 v13, v28;
	v33 =	vmax.f32 v12, v27;
	v34 =	vmin.f32 v14, v29  }
0x124: {  	v46 =	vld [tilespmem:s17+$0xFFFFFFE0];
	v61 =	vadd.f32 v30, v15;
	v26 =	vmax.f32 v16, v26;
	v27 =	vmax.f32 v17, v27  }
0x125: {  	v28 =	vmin.f32 v18, v28;
	v29 =	vmin.f32 v19, v29;
	v43 =	vmax.f32 v11, v62  }
0x126: {  	v35 =	vmin.f32 v13, v40;
	v37 =	vmax.f32 v12, v63;
	v38 =	vmin.f32 v14, v41  }
0x127: {  	v47 =	vmax.f32 v11, v36;
	v48 =	vmin.f32 v13, v44;
	v49 =	vadd.f32 v42, v15  }
0x128: {  	v55 =	vld [tilespmem:s14+$0xFFFFFFF0];
	v51 =	vadd.f32 v42, v21;
	v53 =	vmax.f32 v12, v45;
	v56 =	vadd.f32 v52, v15  }
0x129: {  	v59 =	vld [tilespmem:s15+$0xFFFFFFF0];
	v39 =	vmin.f32 v14, v46;
	v31 =	vsub.f32 v32, v31;
	v60 =	vsub.f32 v34, v33  }
0x12a: {  	v36 =	vmax.f32 v16, v36;
	v26 =	vsub.f32 v28, v26;
	v27 =	vsub.f32 v29, v27  }
0x12b: {  	v57 =	vld [tilespmem:s16+$0xFFFFFFF0];
	v34 =	vsub.f32 v35, v43;
	v37 =	vsub.f32 v38, v37;
	v28 =	vmax.f32 v16, v62  }
0x12c: {  	v33 =	vmin.f32 v18, v40;
	v29 =	vmax.f32 v17, v63;
	v50 =	vsub.f32 v48, v47  }
0x12d: {  	v38 =	vmax.f32 v17, v45;
	v35 =	vmin.f32 v18, v44;
	v63 =	vmax.f32 v11, v55  }
0x12e: {  	v47 =	vmax.f32 v17, v59;
	v31 =	vmax.f32 v31, $0.0e+00;
	v32 =	vmax.f32 v60, $0.0e+00  }
0x12f: {  	v26 =	vmax.f32 v26, $0.0e+00;
	v27 =	vmax.f32 v27, $0.0e+00;
	v31 =	vmul.f32 v32, v31  }
0x130: {  	v48 =	vmin.f32 v18, v57;
	v26 =	vmul.f32 v27, v26;
	v27 =	vadd.f32 v30, v21  }
0x131: {  	v28 =	vsub.f32 v33, v28;
	v33 =	vmin.f32 v19, v46;
	v32 =	vsub.f32 v61, v31  }
0x132: {  	v35 =	vsub.f32 v35, v36;
	v34 =	vmax.f32 v34, $0.0e+00;
	v27 =	vsub.f32 v27, v26  }
0x133: {  	v37 =	vmax.f32 v37, $0.0e+00;
	v33 =	vsub.f32 v33, v38;
	v32 =	vadd.f32 $9.999999710e-10, v32  }
0x134: {  	v30 =	vmin.f32 v19, v41;
	v35 =	vmax.f32 v35, $0.0e+00;
	v27 =	vadd.f32 $9.999999710e-10, v27  }
0x135: {  	v40 =	vld [tilespmem:s17+$0xFFFFFFF0];
	v29 =	vsub.f32 v30, v29;
	v33 =	vmax.f32 v33, $0.0e+00;
	(erf) = vrcp.f32 v32  }
0x136: {  	v33 =	vmul.f32 v33, v35;
	v32 =	vadd.f32 v52, v21;
	(erf) = vrcp.f32 v27  }
0x137: {  	v46 =	vmax.f32 v16, v55;
	v27 =	vmul.f32 v37, v34;
	v34 =	vsub.f32 v39, v53  }
0x138: {  	v28 =	vmax.f32 v28, $0.0e+00;
	v29 =	vmax.f32 v29, $0.0e+00;
	v32 =	vsub.f32 v32, v33  }
0x139: {  	v28 =	vmul.f32 v29, v28;
	v29 =	vmax.f32 v50, $0.0e+00;
	v34 =	vmax.f32 v34, $0.0e+00  }
0x13a: {  	v54 =	vsub.f32 v49, v27;
	v49 =	vmin.f32 v19, v40;
	v62 =	vadd.f32 $9.999999710e-10, v32  }
0x13b: {  	v29 =	vmul.f32 v34, v29;
	v32 =	vsub.f32 v48, v46;
	v34 =	vsub.f32 v49, v47  }
0x13c: {  	v42 =	vld [tilespmem:s20+$0xFFFFFFF0];
	v43 =	vmax.f32 v12, v59;
	v30 =	vsub.f32 v51, v28;
	v36 =	vadd.f32 $9.999999710e-10, v54  }
0x13d: {  	v37 =	vsub.f32 v56, v29;
	v32 =	vmax.f32 v32, $0.0e+00;
	v34 =	vmax.f32 v34, $0.0e+00  }
0x13e: {  	v41 =	vmin.f32 v13, v57;
	v30 =	vadd.f32 $9.999999710e-10, v30;
	v32 =	vmul.f32 v34, v32;
	v58 =	vpop (erf)  }
0x13f: {  	v61 =	vadd.f32 $9.999999710e-10, v37;
	(erf) = vrcp.f32 v36;
	v31 =	vmul.f32 v58, v31;
	v60 =	vpop (erf)  }
0x140: {  	v45 =	vld [tilespmem:s13+$0xFFFFFFC0];
	v44 =	vmin.f32 v14, v40;
	(erf) = vrcp.f32 v30;
	v26 =	vmul.f32 v60, v26  }
0x141: {  	v30 =	vadd.f32 v42, v21;
	(erf) = vrcp.f32 v61;
	vm13 =	vgt.f32 v31, v8  }
0x142: {  	v31 =	vsub.f32 v44, v43;
	vm14 =	vgt.f32 v26, v8;
	v26 =	vsub.f32 v41, v63  }
0x143: {  	v50 =	vadd.f32 v42, v15;
	(erf) = vrcp.f32 v62;
	v30 =	vsub.f32 v30, v32  }
0x144: {  	s1 =	sadd.s32 $0xFFFFFF90, s12;
	v60 =	vld [tilespmem:s14+$0x0];
	v31 =	vmax.f32 v31, $0.0e+00;
	vm13 =	vmor vm13, vm14;
	v26 =	vmax.f32 v26, $0.0e+00  }
0x145: {  	v52 =	vor.u32 s1, v0;
	s1 =	sadd.s32 $0xFFFFFFA0, s12;
	v44 =	vld [tilespmem:s17+$0x0];
	v31 =	vmul.f32 v31, v26;
	v26 =	vsel vm13, $0xFF800000, v45  }
0x146: {  	v61 =	vor.u32 s1, v0;
	s1 =	sadd.s32 $0xFFFFFFB0, s12;
	v63 =	vld [tilespmem:s15+$0x0];
	v30 =	vadd.f32 $9.999999710e-10, v30;
	vm13 =	vgt.f32 v26, v23  }
0x147: {  	v45 =	vor.u32 s1, v0;
	v51 =	vsub.f32 v50, v31;
	v36 =	vsel vm13, v23, v26  }
0x148: {  	v53 =	vpop (erf);
	v54 =	vsel vm13, v25, v52;
	v23 =	vsel vm13, v26, v23;
	v25 =	vsel vm13, v52, v25  }
0x149: {  	v50 =	vmax.f32 v11, v60;
	vm14 =	vgt.f32 v36, v24;
	v56 =	vpop (erf);
	v27 =	vmul.f32 v53, v27  }
0x14a: {  	v53 =	vmin.f32 v14, v44;
	v34 =	vadd.f32 $9.999999710e-10, v51;
	v28 =	vmul.f32 v56, v28  }
0x14b: {  	v55 =	vld [tilespmem:s13+$0xFFFFFFD0];
	v57 =	vpop (erf);
	v24 =	vsel vm14, v36, v24;
	v59 =	vsel vm14, v54, v22;
	v51 =	vmax.f32 v12, v63  }
0x14c: {  	vm13 =	vgt.f32 v27, v8;
	v58 =	vpop (erf);
	v29 =	vmul.f32 v57, v29;
	v38 =	vsub.f32 v53, v51  }
0x14d: {  	v54 =	vld [tilespmem:s15+$0x10];
	(erf) = vrcp.f32 v34;
	vm15 =	vgt.f32 v28, v8;
	v28 =	vmul.f32 v58, v33  }
0x14e: {  	v27 =	vld [tilespmem:s13+$0xFFFFFFE0];
	v34 =	vmax.f32 v17, v63;
	(erf) = vrcp.f32 v30;
	vm13 =	vmor vm13, vm15  }
0x14f: {  	vm14 =	vgt.f32 v29, v8;
	v29 =	vmin.f32 v19, v44;
	v57 =	vmax.f32 v38, $0.0e+00  }
0x150: {  	v58 =	vld [tilespmem:s20+$0x10];
	v22 =	vsel vm13, $0xFF800000, v55;
	vm15 =	vgt.f32 v28, v8;
	v28 =	vmax.f32 v16, v60  }
0x151: {  	v29 =	vsub.f32 v29, v34;
	vm13 =	vgt.f32 v22, v23;
	vm14 =	vmor vm14, vm15  }
0x152: {  	v41 =	vld [tilespmem:s14+$0x10];
	v39 =	vmax.f32 v17, v54;
	v62 =	vsel vm13, v23, v22;
	v42 =	vsel vm13, v25, v61  }
0x153: {  	v56 =	vld [tilespmem:s17+$0x10];
	v43 =	vsel vm13, v22, v23;
	v23 =	vsel vm14, $0xFF800000, v27;
	v25 =	vsel vm13, v61, v25  }
0x154: {  	v27 =	vld [tilespmem:s16+$0x0];
	v29 =	vmax.f32 v29, $0.0e+00;
	v61 =	vmax.f32 v12, v54;
	vm14 =	vgt.f32 v62, v24  }
0x155: {  	v54 =	vld [tilespmem:s17+$0x20];
	vm13 =	vgt.f32 v23, v43;
	v51 =	vadd.f32 v58, v15;
	v33 =	vsel vm14, v62, v24  }
0x156: {  	v46 =	vsel vm13, v43, v23;
	v30 =	vsel vm14, v42, v59;
	v47 =	vsel vm13, v25, v45  }
0x157: {  	v49 =	vld [tilespmem:s20+$0x0];
	v24 =	vsel vm13, v23, v43;
	v36 =	vsel vm13, v45, v25;
	v59 =	vmax.f32 v11, v41  }
0x158: {  	v42 =	vld [tilespmem:s16+$0x10];
	v62 =	vmin.f32 v14, v56;
	v41 =	vmax.f32 v16, v41;
	vm14 =	vgt.f32 v46, v33  }
0x159: {  	v43 =	vld [tilespmem:s14+$0x20];
	v33 =	vsel vm14, v46, v33;
	v52 =	vmin.f32 v13, v27;
	v55 =	vmin.f32 v18, v27  }
0x15a: {  	v48 =	vpop (erf);
	v27 =	vsel vm14, v47, v30;
	v30 =	vmin.f32 v19, v56;
	v45 =	vmin.f32 v14, v54  }
0x15b: {  	s1 =	sadd.s32 $0xFFFFFFC0, s12;
	v44 =	vld [tilespmem:s15+$0x20];
	v38 =	vmin.f32 v19, v54;
	v31 =	vmul.f32 v48, v31;
	v37 =	vsub.f32 v52, v50  }
0x15c: {  	v25 =	vpop (erf);
	v28 =	vsub.f32 v55, v28;
	v48 =	vor.u32 s1, v0;
	v30 =	vsub.f32 v30, v39  }
0x15d: {  	v25 =	vmul.f32 v25, v32;
	v32 =	vadd.f32 v49, v21;
	v60 =	vmin.f32 v13, v42  }
0x15e: {  	v42 =	vmin.f32 v18, v42;
	v56 =	vmax.f32 v11, v43;
	v43 =	vmax.f32 v16, v43  }
0x15f: {  	v54 =	vld [tilespmem:s20+$0x30];
	vm13 =	vgt.f32 v31, v8;
	v28 =	vmax.f32 v28, $0.0e+00;
	v34 =	vsub.f32 v60, v59  }
0x160: {  	v52 =	vld [tilespmem:s16+$0x20];
	v41 =	vsub.f32 v42, v41;
	v30 =	vmax.f32 v30, $0.0e+00;
	v59 =	vmax.f32 v12, v44  }
0x161: {  	vm14 =	vgt.f32 v25, v8;
	v25 =	vmax.f32 v37, $0.0e+00;
	v37 =	vsub.f32 v62, v61  }
0x162: {  	v28 =	vmul.f32 v29, v28;
	v29 =	vadd.f32 v58, v21;
	v42 =	vsub.f32 v45, v59  }
0x163: {  	v63 =	vld [tilespmem:s13+$0xFFFFFFF0];
	v31 =	vmul.f32 v57, v25;
	v25 =	vadd.f32 v49, v15;
	vm13 =	vmor vm13, vm14  }
0x164: {  	v60 =	vld [tilespmem:s15+$0x30];
	v41 =	vmax.f32 v41, $0.0e+00;
	v59 =	vadd.f32 v54, v15;
	v32 =	vsub.f32 v32, v28  }
0x165: {  	v58 =	vld [tilespmem:s14+$0x30];
	v50 =	vmax.f32 v37, $0.0e+00;
	v30 =	vmul.f32 v30, v41;
	v57 =	vmin.f32 v13, v52  }
0x166: {  	v61 =	vld [tilespmem:s16+$0x30];
	v39 =	vmin.f32 v18, v52;
	v42 =	vmax.f32 v42, $0.0e+00;
	v49 =	vsub.f32 v25, v31  }
0x167: {  	v25 =	vmax.f32 v34, $0.0e+00;
	v35 =	vsub.f32 v57, v56;
	v62 =	vsub.f32 v39, v43  }
0x168: {  	v34 =	vmul.f32 v50, v25;
	v25 =	vsel vm13, $0xFF800000, v63;
	v32 =	vadd.f32 $9.999999710e-10, v32  }
0x169: {  	v29 =	vsub.f32 v29, v30;
	v52 =	vmax.f32 v12, v60;
	v53 =	vadd.f32 $9.999999710e-10, v49  }
0x16a: {  	vm13 =	vgt.f32 v25, v24;
	v35 =	vmax.f32 v35, $0.0e+00;
	v50 =	vmax.f32 v11, v58  }
0x16b: {  	v63 =	vld [tilespmem:s17+$0x30];
	v41 =	vmax.f32 v16, v58;
	v45 =	vmin.f32 v18, v61;
	v37 =	vsub.f32 v51, v34  }
0x16c: {  	v29 =	vadd.f32 $9.999999710e-10, v29;
	v43 =	vsel vm13, v36, v48;
	v36 =	vsel vm13, v48, v36  }
0x16d: {  	v49 =	vld [tilespmem:s20+$0x20];
	v48 =	vmax.f32 v17, v44;
	v51 =	vmin.f32 v13, v61;
	v58 =	vsel vm13, v24, v25  }
0x16e: {  	v24 =	vsel vm13, v25, v24;
	(erf) = vrcp.f32 v53;
	v55 =	vadd.f32 $9.999999710e-10, v37  }
0x16f: {  	(erf) = vrcp.f32 v32;
	v32 =	vmax.f32 v62, $0.0e+00;
	v37 =	vmax.f32 v17, v60  }
0x170: {  	v39 =	vmin.f32 v19, v63;
	(erf) = vrcp.f32 v55;
	v55 =	vsub.f32 v45, v41  }
0x171: {  	(erf) = vrcp.f32 v29;
	v29 =	vmul.f32 v42, v35;
	v35 =	vsub.f32 v38, v48  }
0x172: {  	v53 =	vmin.f32 v14, v63;
	v37 =	vsub.f32 v39, v37;
	v56 =	vadd.f32 v49, v15  }
0x173: {  	v38 =	vsub.f32 v51, v50;
	v42 =	vsub.f32 v53, v52;
	v35 =	vmax.f32 v35, $0.0e+00  }
0x174: {  	v40 =	vadd.f32 v49, v21;
	v37 =	vmax.f32 v37, $0.0e+00;
	v32 =	vmul.f32 v35, v32  }
0x175: {  	v38 =	vmax.f32 v38, $0.0e+00;
	v57 =	vmax.f32 v42, $0.0e+00;
	v39 =	vsub.f32 v56, v29  }
0x176: {  	v38 =	vmul.f32 v57, v38;
	v35 =	vmax.f32 v55, $0.0e+00;
	v40 =	vsub.f32 v40, v32  }
0x177: {  	v60 =	vadd.f32 v54, v21;
	v35 =	vmul.f32 v37, v35;
	v39 =	vadd.f32 $9.999999710e-10, v39  }
0x178: {  	vm14 =	vgt.f32 v58, v33;
	v61 =	vpop (erf);
	v37 =	vsub.f32 v59, v38;
	v40 =	vadd.f32 $9.999999710e-10, v40  }
0x179: {  	v62 =	vld [tilespmem:s13+$0x0];
	v31 =	vmul.f32 v61, v31;
	(erf) = vrcp.f32 v39;
	v63 =	vpop (erf);
	v42 =	vsub.f32 v60, v35  }
0x17a: {  	v28 =	vmul.f32 v63, v28;
	v37 =	vadd.f32 $9.999999710e-10, v37;
	(erf) = vrcp.f32 v40  }
0x17b: {  	v33 =	vsel vm14, v58, v33;
	vm13 =	vgt.f32 v31, v8;
	v45 =	vpop (erf);
	v46 =	vadd.f32 $9.999999710e-10, v42  }
0x17c: {  	v48 =	vld [tilespmem:s13+$0x10];
	vm15 =	vgt.f32 v28, v8;
	v47 =	vmul.f32 v45, v34;
	v49 =	vpop (erf);
	(erf) = vrcp.f32 v37  }
0x17d: {  	s1 =	sadd.s32 $0xFFFFFFD0, s12;
	v30 =	vmul.f32 v49, v30;
	vm13 =	vmor vm13, vm15;
	(erf) = vrcp.f32 v46  }
0x17e: {  	v27 =	vsel vm14, v43, v27;
	v50 =	vor.u32 s1, v0;
	v51 =	vsel vm13, $0xFF800000, v62  }
0x17f: {  	s1 =	sadd.s32 $0xFFFFFFE0, s12;
	vm14 =	vgt.f32 v47, v8;
	vm13 =	vgt.f32 v51, v24;
	vm15 =	vgt.f32 v30, v8  }
0x180: {  	v58 =	vor.u32 s1, v0;
	v52 =	vsel vm13, v24, v51;
	vm14 =	vmor vm14, vm15  }
0x181: {  	v53 =	vsel vm13, v36, v50;
	v24 =	vsel vm13, v51, v24;
	v31 =	vsel vm14, $0xFF800000, v48  }
0x182: {  	v34 =	vsel vm13, v50, v36;
	vm15 =	vgt.f32 v52, v33;
	v54 =	vpop (erf);
	vm13 =	vgt.f32 v31, v24  }
0x183: {  	v57 =	vld [tilespmem:s13+$0x20];
	v28 =	vsel vm15, v52, v33;
	v27 =	vsel vm15, v53, v27;
	v56 =	vsel vm13, v24, v31;
	v55 =	vpop (erf)  }
0x184: {  	[tilespmem:s13+$0xFFFFFFC0] =	vst v26;
	v29 =	vmul.f32 v54, v29;
	v26 =	vsel vm13, v34, v58;
	v32 =	vmul.f32 v55, v32  }
0x185: {  	[tilespmem:s13+$0xFFFFFFD0] =	vst v22;
	v34 =	vsel vm13, v58, v34;
	v22 =	vsel vm13, v31, v24;
	vm14 =	vgt.f32 v56, v28;
	v59 =	vpop (erf)  }
0x186: {  	v24 =	vld [tilespmem:s13+$0x30];
	v28 =	vsel vm14, v56, v28;
	vm13 =	vgt.f32 v29, v8;
	v60 =	vpop (erf);
	vm15 =	vgt.f32 v32, v8  }
0x187: {  	[tilespmem:s13+$0xFFFFFFE0] =	vst v23;
	s1 =	sadd.s32 $0xFFFFFFF0, s12;
	v23 =	vmul.f32 v59, v38;
	v29 =	vmul.f32 v60, v35;
	vm13 =	vmor vm13, vm15  }
0x188: {  	[tilespmem:s13+$0xFFFFFFF0] =	vst v25;
	v25 =	vsel vm14, v26, v27;
	v26 =	vor.u32 s1, v0;
	v27 =	vsel vm13, $0xFF800000, v57  }
0x189: {  	s11 =	sadd.s32 $0x8, s11;
	vm14 =	vgt.f32 v23, v8;
	vm15 =	vgt.f32 v29, v8;
	vm13 =	vgt.f32 v27, v22  }
0x18a: {  	p1 =	slt.u32 s11, $0x20;
	vm14 =	vmor vm14, vm15;
	v23 =	vsel vm13, v22, v27;
	v61 =	vsel vm13, v34, v26  }
.Ltmp3:
0x18b: {  	v24 =	vsel vm14, $0xFF800000, v24;
	v22 =	vsel vm13, v27, v22;
	v26 =	vsel vm13, v26, v34;
	(pc) =	sbr.rel @p1 .LBB2_9-.Ltmp3, $4  }
0x18c: {  	[tilespmem:s13+$0x20] =	vst v27;
	v27 =	vor.u32 s12, v0;
	vm14 =	vgt.f32 v23, v28;
	vm13 =	vgt.f32 v24, v22  }
0x18d: {  	s15 =	sadd.s32 $0x80, s15;
	[tilespmem:s13+$0x0] =	vst v51;
	v28 =	vsel vm14, v23, v28;
	v29 =	vsel vm14, v61, v25;
	v62 =	vsel vm13, v22, v24  }
0x18e: {  	s14 =	sadd.s32 $0x80, s14;
	s16 =	sadd.s32 $0x80, s16;
	s17 =	sadd.s32 $0x80, s17;
	[tilespmem:s13+$0x10] =	vst v31;
	v63 =	vsel vm13, v26, v27;
	v23 =	vsel vm13, v24, v22;
	vm14 =	vgt.f32 v62, v28  }
0x18f: {  	s20 =	sadd.s32 $0x80, s20;
	s12 =	sadd.s32 $0x80, s12;
	[tilespmem:s13+$0x30] =	vst v24;
	s13 =	sadd.s32 $0x80, s13;
	v25 =	vsel vm13, v27, v26;
	v24 =	vsel vm14, v62, v28;
	v22 =	vsel vm14, v63, v29  }
0x190: {  	s1 =	sld [smem:$0x7FC];
	_ =	sdelay $0x2  }
0x191: {  	p2 =	seq.s32 s1, $0x1  }
0x192: {  	p1 =	sgt.s32 @!p2 s7, $0x12B  }
0x193: {  	p5 =	por p1, p2  }
0x194: {  	(v2sf) =	vpush v20, $0x0;
	p6 =	slt.f32 @!p5 s9, $-Inf;
	p0 =	sgt.f32 @!p5 s9, $-Inf  }
0x195: {  	_ = 	snop  }
0x196: {  	p0 =	por @!p5 p0, p6  }
0x197: {  	p0 =	por @!p5 !p0, !p0  }
0x198: {  	s11 =	sld [smem:$0x7FD];
	s1 =	simm.s32 $0x1;
	p0 =	por @!p2 p0, p1  }
0x199: {  	s1 =	simm.s32 @!p3 $0x0;
	p6 =	por p0, p2  }
0x19a: {  	s1 =	sadd.s32 s1, s7;
	v11 =	vlaneseq.u32 @!p6  }
0x19b: {  	p5 =	seq.s32 s11, $0x1;
	p2 =	slt.s32 s1, $0x12C;
	v10 =	vor.u32 @!p6 v11, v10  }
0x19c: {  	p0 =	por !p5, !p2  }
0x19d: {  	p0 =	por !p0, !p0  }
0x19e: {  	p0 =	por !p0, !p4  }
0x19f: {  	s11 =	simm.s32 @!p6 $0x1F80;
	p5 =	por !p0, !p0  }
0x1a0: {  	v11 =	vlaneseq.u32 @p5;
	v10 =	vld.idx.msk @!p6 [tilespmem:v10+s11+$0x0], $0xffff  }
0x1a1: {  	v9 =	vor.u32 @p5 v11, v9  }
0x1a2: {  	s20 =	sld [smem:$0x7FB]  }
0x1a3: {  	s7 =	sshll.u32 @!p6 s7, $0x9;
	s17 =	spop (v2sf)  }
0x1a4: {  	s7 =	sshra.s32 @!p6 s7, $0x2;
	p2 =	sgt.f32 s17, $5.000000000e-01  }
0x1a5: {  	[tilespmem:s7+$0x2F80] =	vst @!p6 v10;
	s7 =	simm.s32 @p5 $0x1F80;
	p6 =	seq.s32 s20, $0x1  }
0x1a6: {  	p1 =	slt.f32 s9, $-Inf;
	p0 =	por !p6, !p2;
	v9 =	vld.idx.msk @p5 [tilespmem:v9+s7+$0x0], $0xffff;
	s7 =	sshll.u32 @p5 s1, $0x9  }
0x1a7: {  	p0 =	por !p0, !p0;
	s9 =	sshra.s32 @p5 s7, $0x2;
	s7 =	simm.s32 $0x1  }
0x1a8: {  	s7 =	simm.s32 @!p4 $0x0;
	p4 =	slt.u32 s6, $0x12D;
	p0 =	por !p0, !p0  }
0x1a9: {  	p0 =	por !p4, !p0  }
0x1aa: {  	p0 =	por !p0, !p0  }
.Ltmp4:
0x1ab: {  	_ = 	snop;
	(pc) =	sbr.rel @p0 .LBB2_8-.Ltmp4, $4  }
0x1ac: {  	_ = 	snop  }
0x1ad: {  	p1 =	por p3, p1;
	s7 =	sadd.s32 s7, s1  }
0x1ae: {  	p1 =	por !p1, !p1;
	p6 =	sgt.s32 s7, $0x12B  }
0x1af: {  	s6 =	sadd.s32 $0x1, s6;
	[tilespmem:s9+$0x2F80] =	vst @p5 v9;
	p1 =	por p6, p1  }
0x1b0: {  	s1 =	sld [smem:$0x7FC];
	_ =	sdelay $0x2  }
0x1b1: {  	p1 =	seq.s32 s1, $0x1  }
0x1b2: {  	s6 =	rddreg [dreg:$0xc];
	s1 =	simm.s32 @!p1 $0x0;
	s4 =	simm.s32 @!p1 $0x2F80  }
0x1b3: {  	[hbm4b:s6+s1] =	stream.linear.scatter @!p1 [tilespmem:s4], [sflag:$0x1], $0x9800, $0x38;
	[tilespmem:$0xC7E0] =	vst v63  }
0x1b4: {  	s1 =	simm.s32 @!p1 $0x1  }
0x1b5: {  	_ =	swait.ge @!p1 [sflag:s1], $0x9800  }
0x1b6: {  	s17 =	rddreg [dreg:$0xe]  }
0x1b7: {  	s20 =	rddreg [dreg:$0xd];
	s6 =	sadd.s32 $0x1, s17  }
0x1b8: {  	p0 =	sne.s32 s6, s20  }
.Ltmp5:
0x1b9: {  	_ = 	snop;
	(pc) =	sbr.rel @p0 .LBB2_1-.Ltmp5, $3  }
0x1ba: {  	_ =	sdelay $0x1  }
0x1bb: {  	[sflag:s1] =	ssyncset.done @!p1 $0x0  }
0x1bc: {  	[sflag:s1] =	ssyncadd.s32 @!p1 $0xFFFF6800  }
0x1bd: {  	_ =	sfence.sel $0x180000  }
0x1be: {  	[bflag:$0x0] =	sbarrier.arrive $0xFFFF  }
0x1bf: {  	_ =	strace $0x90000047  }
0x1c0: {  	s0 =	stileid.u32;
	[bflag:$0x2] =	sbarrier.arrive $0xFFFF  }
0x1c1: {  	p0 =	sne.s32 s0, $0x0;
	s0 =	rddreg [dreg:$0x3]  }
0x1c2: {  	s0 =	sadd.s32 @!p0 $0x100000, s0  }
0x1c3: {  	[sflag:s0] =	ssyncadd.tile.s32 @!p0 $0x1;
	_ =	shalt  }
.Lfunc_end2:
_tile_overlayer_lowered:
.L_overlay_start_2:
0x1c4: {  	(tag) =	ssettag $0x2  }
0x1c5: {  	s0 =	rddreg [dreg:$0x0];
	s2 =	stileid.u32  }
0x1c6: {  	s1 =	rddreg [dreg:$0x1];
	p0 =	sne.s32 s2, $0x0  }
0x1c7: {  	s3 =	rddreg [dreg:$0x2];
	[bflag:$0x3] =	sbarrier.arrive $0xFFFF;
	s2 =	simm.s32 @!p0 $0x1C01  }
0x1c8: {  	[timem:s3], [sflag:s2] =	dma.local @!p0 [hbm:s0], s1  }
0x1c9: {  	s0 =	simm.s32 @!p0 $0x1  }
0x1ca: {  	_ =	swait.ge @!p0 [sflag:s0], s1  }
0x1cb: {  	s1 =	ssub.s32 @!p0 $0x0, s1;
	[sflag:s0] =	ssyncset.done @!p0 $0x0  }
0x1cc: {  	[sflag:s0] =	ssyncadd.s32 @!p0 s1  }
0x1cd: {  	[bflag:$0x3] =	sbarrier.arrive $0xFFFF  }
0x1ce: {  	_ =	shalt  }

</sc_bundles>
